<compile_context>
chip_gen: v7x
topology: tpu7x:2x2x1
jax: 0.10.2.dev20260603
libtpu: 0.0.44.dev20260713+nightly
codegen_flags: <defaults>
</compile_context>

<pallas_src>
import functools

import jax
import jax.numpy as jnp
from jax import lax
from jax.experimental import pallas as pl
from jax.experimental.pallas import tpu as pltpu
from jax.experimental.pallas import tpu_sc as plsc

_INPUT_DIM = 1000000
_EMBED_DIM = 32
_LANES = 16

_info = plsc.get_sparse_core_info()
_NC, _NS = _info.num_cores, _info.num_subcores
_NW = _NC * _NS

_CHUNK = 128


def _hash16(x):
    h = x * jnp.int32(-1640531535)
    hf = h.astype(jnp.float32)
    hf = jnp.where(h < 0, hf + jnp.float32(4294967296.0), hf)
    q = (hf * jnp.float32(1e-6)).astype(jnp.int32)
    r = h - q * jnp.int32(_INPUT_DIM)
    r = jnp.where(r < 0, r + jnp.int32(_INPUT_DIM), r)
    r = jnp.where(r >= jnp.int32(_INPUT_DIM), r - jnp.int32(_INPUT_DIM), r)
    return r


_NBUF = 8


def _make_kernel(batch_flat):
    bpw = batch_flat // _NW
    nchunk = bpw // _CHUNK
    ngroups = nchunk // _NBUF
    mesh = plsc.VectorSubcoreMesh(core_axis_name="c", subcore_axis_name="s")

    @functools.partial(
        pl.kernel,
        mesh=mesh,
        compiler_params=pltpu.CompilerParams(use_tc_tiling_on_sc=False),
        out_type=jax.ShapeDtypeStruct((batch_flat, _EMBED_DIM), jnp.float32),
        scratch_types=[
            pltpu.VMEM((nchunk, _CHUNK), jnp.int32),
            pltpu.VMEM((_NBUF, _CHUNK, _EMBED_DIM), jnp.float32),
        ]
        + [pltpu.SemaphoreType.DMA] * _NBUF,
    )
    def k(ids_hbm, table_hbm, out_hbm, idx_v, rows_v, *sems):
        wid = lax.axis_index("s") * _NC + lax.axis_index("c")
        base = wid * bpw
        pltpu.sync_copy(ids_hbm.at[wid], idx_v)

        def hash_step(j, carry):
            for i in range(_CHUNK // _LANES):
                s = pl.ds(i * _LANES, _LANES)
                idx_v[j, s] = _hash16(idx_v[j, s])
            return carry

        lax.fori_loop(0, nchunk, hash_step, 0)

        def start(j, b):
            pltpu.async_copy(table_hbm.at[idx_v.at[j]], rows_v.at[b], sems[b])

        def finish(j, b):
            pltpu.make_async_copy(
                table_hbm.at[idx_v.at[j]], rows_v.at[b], sems[b]
            ).wait()
            pltpu.sync_copy(rows_v.at[b], out_hbm.at[pl.ds(base + j * _CHUNK, _CHUNK)])

        for b in range(_NBUF):
            start(b, b)

        def group_step(g, carry):
            for b in range(_NBUF):
                j = g * _NBUF + b
                finish(j, b)
                start(j + _NBUF, b)
            return carry

        lax.fori_loop(0, ngroups - 1, group_step, 0)

        for b in range(_NBUF):
            finish((ngroups - 1) * _NBUF + b, b)

    return k


def kernel(inputs, table):
    b, f = inputs.shape
    bf = b * f
    ids = inputs.reshape(_NW, bf // (_NW * _CHUNK), _CHUNK)
    out = _make_kernel(bf)(ids, table)
    return out.reshape(b, f, _EMBED_DIM)

# --- scband reference (transcript-rebuilt; emitter-appended) ---
"""Pipeline reference for scband-categorical-model-12292196401319 (READ-ONLY COPY).

The authoritative reference and input builder live on the scoring server;
editing this copy changes nothing except your own understanding.
"""

import jax, jax.numpy as jnp
import numpy as np

INPUT_DIM = 1000000
EMBED_DIM = 32
BATCH = 16384
N_FIELDS = 26


def _hash(inputs, num_bins):
    # Approximation of tf.keras.layers.Hashing (FarmHash) with a
    # Knuth multiplicative hash; deterministic map of raw ids -> [0, num_bins).
    h = inputs.astype(jnp.uint32) * jnp.uint32(2654435761)
    return (h % jnp.uint32(num_bins)).astype(jnp.int32)


def setup_inputs(seed: int = 0) -> dict:
    key = jax.random.key(seed)
    k1, k2 = jax.random.split(key)
    inputs = jax.random.randint(k1, (BATCH, N_FIELDS), 0, 1000000000, dtype=jnp.int32)
    # Keras Embedding default initializer: uniform(-0.05, 0.05)
    table = jax.random.uniform(k2, (INPUT_DIM, EMBED_DIM), minval=-0.05, maxval=0.05, dtype=jnp.float32)
    return {"inputs": inputs, "table": table}


def reference(inputs, table):
    idx = _hash(inputs, INPUT_DIM)
    out = jnp.take(table, idx, axis=0)
    return out

if __name__ == "__main__":
    import jax
    _d = setup_inputs()
    print(jax.jit(kernel)(*tuple(_d.values())))

</pallas_src>

<mosaic_0001>
#map = affine_map<(d0, d1) -> (0, 0, 0)>
#map1 = affine_map<(d0, d1) -> (0, 0)>
module attributes {stable_mosaic.version = 14 : i64} {
  func.func @k(%arg0: i32, %arg1: i32, %arg2: memref<32x104x128xi32, #tpu.memory_space<hbm>>, %arg3: memref<1000000x32xf32, #tpu.memory_space<hbm>>, %arg4: memref<425984x32xf32, #tpu.memory_space<hbm>>, %arg5: memref<104x128xi32, #tpu.memory_space<vmem>>, %arg6: memref<8x128x32xf32, #tpu.memory_space<vmem>>, %arg7: memref<!tpu.dma_semaphore, #tpu.memory_space<semaphore_mem>>, %arg8: memref<!tpu.dma_semaphore, #tpu.memory_space<semaphore_mem>>, %arg9: memref<!tpu.dma_semaphore, #tpu.memory_space<semaphore_mem>>, %arg10: memref<!tpu.dma_semaphore, #tpu.memory_space<semaphore_mem>>, %arg11: memref<!tpu.dma_semaphore, #tpu.memory_space<semaphore_mem>>, %arg12: memref<!tpu.dma_semaphore, #tpu.memory_space<semaphore_mem>>, %arg13: memref<!tpu.dma_semaphore, #tpu.memory_space<semaphore_mem>>, %arg14: memref<!tpu.dma_semaphore, #tpu.memory_space<semaphore_mem>>) attributes {dimension_semantics = [#tpu.dimension_semantics<core_parallel>, #tpu.dimension_semantics<subcore_parallel>], iteration_bounds = array<i64: 2, 16>, scalar_prefetch = 0 : i64, scratch_operands = 10 : i64, tpu.core_type = #tpu.core_type<sc_vector_subcore>, window_params = [{transform_indices = #map}, {transform_indices = #map1}, {transform_indices = #map1}]} {
    %mul3A = arith.constant 2 : i32
    %mul3A_0 = arith.muli %arg1, %mul3A : i32
    %add3A = arith.addi %mul3A_0, %arg0 : i32
    %mul3A_1 = arith.constant 13312 : i32
    %mul3A_2 = arith.muli %add3A, %mul3A_1 : i32
    "tpu.region"() ({
      %run_scoped3A_227 = tpu.sem_alloc : memref<!tpu.dma_semaphore, #tpu.memory_space<semaphore_mem>>
      %dma_start3A_228 = arith.constant 0 : i32
      %dma_start3A_229 = arith.constant 0 : i32
      %dma_start3A_230 = tpu.memref_slice %arg2[%add3A, %dma_start3A_228, %dma_start3A_229] : memref<32x104x128xi32, #tpu.memory_space<hbm>> -> memref<1x104x128xi32, #tpu.memory_space<hbm>>
      %dma_start3A_231 = tpu.memref_squeeze %dma_start3A_230 : memref<1x104x128xi32, #tpu.memory_space<hbm>> -> memref<104x128xi32, #tpu.memory_space<hbm>>
      %dma_start3A_232 = arith.constant 0 : i32
      %dma_start3A_233 = arith.constant 0 : i32
      %dma_start3A_234 = tpu.memref_slice %arg2[%add3A, %dma_start3A_232, %dma_start3A_233] : memref<32x104x128xi32, #tpu.memory_space<hbm>> -> memref<1x104x128xi32, #tpu.memory_space<hbm>>
      %dma_start3A_235 = tpu.memref_squeeze %dma_start3A_234 : memref<1x104x128xi32, #tpu.memory_space<hbm>> -> memref<104x128xi32, #tpu.memory_space<hbm>>
      tpu.enqueue_dma source(%dma_start3A_235 : memref<104x128xi32, #tpu.memory_space<hbm>>) target(%arg5 : memref<104x128xi32, #tpu.memory_space<vmem>>) target_semaphore(%run_scoped3A_227 : memref<!tpu.dma_semaphore, #tpu.memory_space<semaphore_mem>>)
      %dma_wait3A_236 = arith.constant 0 : i32
      %dma_wait3A_237 = arith.constant 0 : i32
      %dma_wait3A_238 = tpu.memref_slice %arg2[%add3A, %dma_wait3A_236, %dma_wait3A_237] : memref<32x104x128xi32, #tpu.memory_space<hbm>> -> memref<1x104x128xi32, #tpu.memory_space<hbm>>
      %dma_wait3A_239 = tpu.memref_squeeze %dma_wait3A_238 : memref<1x104x128xi32, #tpu.memory_space<hbm>> -> memref<104x128xi32, #tpu.memory_space<hbm>>
      %dma_wait3A_240 = arith.constant 0 : i32
      %dma_wait3A_241 = arith.constant 0 : i32
      %dma_wait3A_242 = tpu.memref_slice %arg2[%add3A, %dma_wait3A_240, %dma_wait3A_241] : memref<32x104x128xi32, #tpu.memory_space<hbm>> -> memref<1x104x128xi32, #tpu.memory_space<hbm>>
      %dma_wait3A_243 = tpu.memref_squeeze %dma_wait3A_242 : memref<1x104x128xi32, #tpu.memory_space<hbm>> -> memref<104x128xi32, #tpu.memory_space<hbm>>
      tpu.wait_dma2 semaphore(%run_scoped3A_227 : memref<!tpu.dma_semaphore, #tpu.memory_space<semaphore_mem>>) src(%dma_wait3A_243 : memref<104x128xi32, #tpu.memory_space<hbm>>) dst(%arg5 : memref<104x128xi32, #tpu.memory_space<vmem>>)
      tpu.yield
    }) : () -> ()
    %scan3A = arith.constant 0 : i32
    %scan3A_3 = arith.constant 0 : i32
    %scan3A_4 = arith.constant 104 : i32
    %scan3A_5 = arith.addi %scan3A_3, %scan3A_4 : i32
    %scan3A_6 = arith.constant 1 : i32
    scf.for %scan3A_227 = %scan3A_3 to %scan3A_5 step %scan3A_6  : i32 {
      %get3A = arith.index_cast %scan3A_227 : i32 to index
      %get3A_228 = arith.constant 0 : index
      %get3A_229 = tpu.vector_load %arg5[%get3A, %get3A_228] {strides = array<i32>} : memref<104x128xi32, #tpu.memory_space<vmem>>, vector<1x16xi32>,
      %get3A_230 = vector.shape_cast %get3A_229 : vector<1x16xi32> to vector<16xi32>
      %mul3A_231 = arith.constant -1640531535 : i32
      %mul3A_232 = vector.broadcast %mul3A_231 : i32 to vector<16xi32>
      %mul3A_233 = arith.muli %get3A_230, %mul3A_232 : vector<16xi32>
      %convert_element_type3A = arith.sitofp %mul3A_233 : vector<16xi32> to vector<16xf32>
      %lt3A = arith.constant 0 : i32
      %lt3A_234 = vector.broadcast %lt3A : i32 to vector<16xi32>
      %lt3A_235 = arith.cmpi slt, %mul3A_233, %lt3A_234 : vector<16xi32>
      %add3A_236 = arith.constant 4.2949673E+9 : f32
      %add3A_237 = vector.broadcast %add3A_236 : f32 to vector<16xf32>
      %add3A_238 = arith.addf %convert_element_type3A, %add3A_237 : vector<16xf32>
      %select_n3A = arith.select %lt3A_235, %add3A_238, %convert_element_type3A : vector<16xi1>, vector<16xf32>
      %mul3A_239 = arith.constant 9.99999997E-7 : f32
      %mul3A_240 = vector.broadcast %mul3A_239 : f32 to vector<16xf32>
      %mul3A_241 = arith.mulf %select_n3A, %mul3A_240 : vector<16xf32>
      %convert_element_type3A_242 = arith.fptosi %mul3A_241 : vector<16xf32> to vector<16xi32>
      %mul3A_243 = arith.constant 1000000 : i32
      %mul3A_244 = vector.broadcast %mul3A_243 : i32 to vector<16xi32>
      %mul3A_245 = arith.muli %convert_element_type3A_242, %mul3A_244 : vector<16xi32>
      %sub3A = arith.subi %mul3A_233, %mul3A_245 : vector<16xi32>
      %lt3A_246 = arith.constant 0 : i32
      %lt3A_247 = vector.broadcast %lt3A_246 : i32 to vector<16xi32>
      %lt3A_248 = arith.cmpi slt, %sub3A, %lt3A_247 : vector<16xi32>
      %add3A_249 = arith.constant 1000000 : i32
      %add3A_250 = vector.broadcast %add3A_249 : i32 to vector<16xi32>
      %add3A_251 = arith.addi %sub3A, %add3A_250 : vector<16xi32>
      %select_n3A_252 = arith.select %lt3A_248, %add3A_251, %sub3A : vector<16xi1>, vector<16xi32>
      %ge3A = arith.constant 1000000 : i32
      %ge3A_253 = vector.broadcast %ge3A : i32 to vector<16xi32>
      %ge3A_254 = arith.cmpi sge, %select_n3A_252, %ge3A_253 : vector<16xi32>
      %sub3A_255 = arith.constant 1000000 : i32
      %sub3A_256 = vector.broadcast %sub3A_255 : i32 to vector<16xi32>
      %sub3A_257 = arith.subi %select_n3A_252, %sub3A_256 : vector<16xi32>
      %select_n3A_258 = arith.select %ge3A_254, %sub3A_257, %select_n3A_252 : vector<16xi1>, vector<16xi32>
      %swap3A = arith.index_cast %scan3A_227 : i32 to index
      %swap3A_259 = arith.constant 0 : index
      %swap3A_260 = tpu.vector_load %arg5[%swap3A, %swap3A_259] {strides = array<i32>} : memref<104x128xi32, #tpu.memory_space<vmem>>, vector<1x16xi32>,
      %swap3A_261 = vector.shape_cast %swap3A_260 : vector<1x16xi32> to vector<16xi32>
      %swap3A_262 = vector.shape_cast %select_n3A_258 : vector<16xi32> to vector<1x16xi32>
      tpu.vector_store %arg5[%swap3A, %swap3A_259], %swap3A_262 {strides = array<i32>} : memref<104x128xi32, #tpu.memory_space<vmem>>, vector<1x16xi32>,
      %get3A_263 = arith.index_cast %scan3A_227 : i32 to index
      %get3A_264 = arith.constant 16 : index
      %get3A_265 = tpu.vector_load %arg5[%get3A_263, %get3A_264] {strides = array<i32>} : memref<104x128xi32, #tpu.memory_space<vmem>>, vector<1x16xi32>,
      %get3A_266 = vector.shape_cast %get3A_265 : vector<1x16xi32> to vector<16xi32>
      %mul3A_267 = arith.constant -1640531535 : i32
      %mul3A_268 = vector.broadcast %mul3A_267 : i32 to vector<16xi32>
      %mul3A_269 = arith.muli %get3A_266, %mul3A_268 : vector<16xi32>
      %convert_element_type3A_270 = arith.sitofp %mul3A_269 : vector<16xi32> to vector<16xf32>
      %lt3A_271 = arith.constant 0 : i32
      %lt3A_272 = vector.broadcast %lt3A_271 : i32 to vector<16xi32>
      %lt3A_273 = arith.cmpi slt, %mul3A_269, %lt3A_272 : vector<16xi32>
      %add3A_274 = arith.constant 4.2949673E+9 : f32
      %add3A_275 = vector.broadcast %add3A_274 : f32 to vector<16xf32>
      %add3A_276 = arith.addf %convert_element_type3A_270, %add3A_275 : vector<16xf32>
      %select_n3A_277 = arith.select %lt3A_273, %add3A_276, %convert_element_type3A_270 : vector<16xi1>, vector<16xf32>
      %mul3A_278 = arith.constant 9.99999997E-7 : f32
      %mul3A_279 = vector.broadcast %mul3A_278 : f32 to vector<16xf32>
      %mul3A_280 = arith.mulf %select_n3A_277, %mul3A_279 : vector<16xf32>
      %convert_element_type3A_281 = arith.fptosi %mul3A_280 : vector<16xf32> to vector<16xi32>
      %mul3A_282 = arith.constant 1000000 : i32
      %mul3A_283 = vector.broadcast %mul3A_282 : i32 to vector<16xi32>
      %mul3A_284 = arith.muli %convert_element_type3A_281, %mul3A_283 : vector<16xi32>
      %sub3A_285 = arith.subi %mul3A_269, %mul3A_284 : vector<16xi32>
      %lt3A_286 = arith.constant 0 : i32
      %lt3A_287 = vector.broadcast %lt3A_286 : i32 to vector<16xi32>
      %lt3A_288 = arith.cmpi slt, %sub3A_285, %lt3A_287 : vector<16xi32>
      %add3A_289 = arith.constant 1000000 : i32
      %add3A_290 = vector.broadcast %add3A_289 : i32 to vector<16xi32>
      %add3A_291 = arith.addi %sub3A_285, %add3A_290 : vector<16xi32>
      %select_n3A_292 = arith.select %lt3A_288, %add3A_291, %sub3A_285 : vector<16xi1>, vector<16xi32>
      %ge3A_293 = arith.constant 1000000 : i32
      %ge3A_294 = vector.broadcast %ge3A_293 : i32 to vector<16xi32>
      %ge3A_295 = arith.cmpi sge, %select_n3A_292, %ge3A_294 : vector<16xi32>
      %sub3A_296 = arith.constant 1000000 : i32
      %sub3A_297 = vector.broadcast %sub3A_296 : i32 to vector<16xi32>
      %sub3A_298 = arith.subi %select_n3A_292, %sub3A_297 : vector<16xi32>
      %select_n3A_299 = arith.select %ge3A_295, %sub3A_298, %select_n3A_292 : vector<16xi1>, vector<16xi32>
      %swap3A_300 = arith.index_cast %scan3A_227 : i32 to index
      %swap3A_301 = arith.constant 16 : index
      %swap3A_302 = tpu.vector_load %arg5[%swap3A_300, %swap3A_301] {strides = array<i32>} : memref<104x128xi32, #tpu.memory_space<vmem>>, vector<1x16xi32>,
      %swap3A_303 = vector.shape_cast %swap3A_302 : vector<1x16xi32> to vector<16xi32>
      %swap3A_304 = vector.shape_cast %select_n3A_299 : vector<16xi32> to vector<1x16xi32>
      tpu.vector_store %arg5[%swap3A_300, %swap3A_301], %swap3A_304 {strides = array<i32>} : memref<104x128xi32, #tpu.memory_space<vmem>>, vector<1x16xi32>,
      %get3A_305 = arith.index_cast %scan3A_227 : i32 to index
      %get3A_306 = arith.constant 32 : index
      %get3A_307 = tpu.vector_load %arg5[%get3A_305, %get3A_306] {strides = array<i32>} : memref<104x128xi32, #tpu.memory_space<vmem>>, vector<1x16xi32>,
      %get3A_308 = vector.shape_cast %get3A_307 : vector<1x16xi32> to vector<16xi32>
      %mul3A_309 = arith.constant -1640531535 : i32
      %mul3A_310 = vector.broadcast %mul3A_309 : i32 to vector<16xi32>
      %mul3A_311 = arith.muli %get3A_308, %mul3A_310 : vector<16xi32>
      %convert_element_type3A_312 = arith.sitofp %mul3A_311 : vector<16xi32> to vector<16xf32>
      %lt3A_313 = arith.constant 0 : i32
      %lt3A_314 = vector.broadcast %lt3A_313 : i32 to vector<16xi32>
      %lt3A_315 = arith.cmpi slt, %mul3A_311, %lt3A_314 : vector<16xi32>
      %add3A_316 = arith.constant 4.2949673E+9 : f32
      %add3A_317 = vector.broadcast %add3A_316 : f32 to vector<16xf32>
      %add3A_318 = arith.addf %convert_element_type3A_312, %add3A_317 : vector<16xf32>
      %select_n3A_319 = arith.select %lt3A_315, %add3A_318, %convert_element_type3A_312 : vector<16xi1>, vector<16xf32>
      %mul3A_320 = arith.constant 9.99999997E-7 : f32
      %mul3A_321 = vector.broadcast %mul3A_320 : f32 to vector<16xf32>
      %mul3A_322 = arith.mulf %select_n3A_319, %mul3A_321 : vector<16xf32>
      %convert_element_type3A_323 = arith.fptosi %mul3A_322 : vector<16xf32> to vector<16xi32>
      %mul3A_324 = arith.constant 1000000 : i32
      %mul3A_325 = vector.broadcast %mul3A_324 : i32 to vector<16xi32>
      %mul3A_326 = arith.muli %convert_element_type3A_323, %mul3A_325 : vector<16xi32>
      %sub3A_327 = arith.subi %mul3A_311, %mul3A_326 : vector<16xi32>
      %lt3A_328 = arith.constant 0 : i32
      %lt3A_329 = vector.broadcast %lt3A_328 : i32 to vector<16xi32>
      %lt3A_330 = arith.cmpi slt, %sub3A_327, %lt3A_329 : vector<16xi32>
      %add3A_331 = arith.constant 1000000 : i32
      %add3A_332 = vector.broadcast %add3A_331 : i32 to vector<16xi32>
      %add3A_333 = arith.addi %sub3A_327, %add3A_332 : vector<16xi32>
      %select_n3A_334 = arith.select %lt3A_330, %add3A_333, %sub3A_327 : vector<16xi1>, vector<16xi32>
      %ge3A_335 = arith.constant 1000000 : i32
      %ge3A_336 = vector.broadcast %ge3A_335 : i32 to vector<16xi32>
      %ge3A_337 = arith.cmpi sge, %select_n3A_334, %ge3A_336 : vector<16xi32>
      %sub3A_338 = arith.constant 1000000 : i32
      %sub3A_339 = vector.broadcast %sub3A_338 : i32 to vector<16xi32>
      %sub3A_340 = arith.subi %select_n3A_334, %sub3A_339 : vector<16xi32>
      %select_n3A_341 = arith.select %ge3A_337, %sub3A_340, %select_n3A_334 : vector<16xi1>, vector<16xi32>
      %swap3A_342 = arith.index_cast %scan3A_227 : i32 to index
      %swap3A_343 = arith.constant 32 : index
      %swap3A_344 = tpu.vector_load %arg5[%swap3A_342, %swap3A_343] {strides = array<i32>} : memref<104x128xi32, #tpu.memory_space<vmem>>, vector<1x16xi32>,
      %swap3A_345 = vector.shape_cast %swap3A_344 : vector<1x16xi32> to vector<16xi32>
      %swap3A_346 = vector.shape_cast %select_n3A_341 : vector<16xi32> to vector<1x16xi32>
      tpu.vector_store %arg5[%swap3A_342, %swap3A_343], %swap3A_346 {strides = array<i32>} : memref<104x128xi32, #tpu.memory_space<vmem>>, vector<1x16xi32>,
      %get3A_347 = arith.index_cast %scan3A_227 : i32 to index
      %get3A_348 = arith.constant 48 : index
      %get3A_349 = tpu.vector_load %arg5[%get3A_347, %get3A_348] {strides = array<i32>} : memref<104x128xi32, #tpu.memory_space<vmem>>, vector<1x16xi32>,
      %get3A_350 = vector.shape_cast %get3A_349 : vector<1x16xi32> to vector<16xi32>
      %mul3A_351 = arith.constant -1640531535 : i32
      %mul3A_352 = vector.broadcast %mul3A_351 : i32 to vector<16xi32>
      %mul3A_353 = arith.muli %get3A_350, %mul3A_352 : vector<16xi32>
      %convert_element_type3A_354 = arith.sitofp %mul3A_353 : vector<16xi32> to vector<16xf32>
      %lt3A_355 = arith.constant 0 : i32
      %lt3A_356 = vector.broadcast %lt3A_355 : i32 to vector<16xi32>
      %lt3A_357 = arith.cmpi slt, %mul3A_353, %lt3A_356 : vector<16xi32>
      %add3A_358 = arith.constant 4.2949673E+9 : f32
      %add3A_359 = vector.broadcast %add3A_358 : f32 to vector<16xf32>
      %add3A_360 = arith.addf %convert_element_type3A_354, %add3A_359 : vector<16xf32>
      %select_n3A_361 = arith.select %lt3A_357, %add3A_360, %convert_element_type3A_354 : vector<16xi1>, vector<16xf32>
      %mul3A_362 = arith.constant 9.99999997E-7 : f32
      %mul3A_363 = vector.broadcast %mul3A_362 : f32 to vector<16xf32>
      %mul3A_364 = arith.mulf %select_n3A_361, %mul3A_363 : vector<16xf32>
      %convert_element_type3A_365 = arith.fptosi %mul3A_364 : vector<16xf32> to vector<16xi32>
      %mul3A_366 = arith.constant 1000000 : i32
      %mul3A_367 = vector.broadcast %mul3A_366 : i32 to vector<16xi32>
      %mul3A_368 = arith.muli %convert_element_type3A_365, %mul3A_367 : vector<16xi32>
      %sub3A_369 = arith.subi %mul3A_353, %mul3A_368 : vector<16xi32>
      %lt3A_370 = arith.constant 0 : i32
      %lt3A_371 = vector.broadcast %lt3A_370 : i32 to vector<16xi32>
      %lt3A_372 = arith.cmpi slt, %sub3A_369, %lt3A_371 : vector<16xi32>
      %add3A_373 = arith.constant 1000000 : i32
      %add3A_374 = vector.broadcast %add3A_373 : i32 to vector<16xi32>
      %add3A_375 = arith.addi %sub3A_369, %add3A_374 : vector<16xi32>
      %select_n3A_376 = arith.select %lt3A_372, %add3A_375, %sub3A_369 : vector<16xi1>, vector<16xi32>
      %ge3A_377 = arith.constant 1000000 : i32
      %ge3A_378 = vector.broadcast %ge3A_377 : i32 to vector<16xi32>
      %ge3A_379 = arith.cmpi sge, %select_n3A_376, %ge3A_378 : vector<16xi32>
      %sub3A_380 = arith.constant 1000000 : i32
      %sub3A_381 = vector.broadcast %sub3A_380 : i32 to vector<16xi32>
      %sub3A_382 = arith.subi %select_n3A_376, %sub3A_381 : vector<16xi32>
      %select_n3A_383 = arith.select %ge3A_379, %sub3A_382, %select_n3A_376 : vector<16xi1>, vector<16xi32>
      %swap3A_384 = arith.index_cast %scan3A_227 : i32 to index
      %swap3A_385 = arith.constant 48 : index
      %swap3A_386 = tpu.vector_load %arg5[%swap3A_384, %swap3A_385] {strides = array<i32>} : memref<104x128xi32, #tpu.memory_space<vmem>>, vector<1x16xi32>,
      %swap3A_387 = vector.shape_cast %swap3A_386 : vector<1x16xi32> to vector<16xi32>
      %swap3A_388 = vector.shape_cast %select_n3A_383 : vector<16xi32> to vector<1x16xi32>
      tpu.vector_store %arg5[%swap3A_384, %swap3A_385], %swap3A_388 {strides = array<i32>} : memref<104x128xi32, #tpu.memory_space<vmem>>, vector<1x16xi32>,
      %get3A_389 = arith.index_cast %scan3A_227 : i32 to index
      %get3A_390 = arith.constant 64 : index
      %get3A_391 = tpu.vector_load %arg5[%get3A_389, %get3A_390] {strides = array<i32>} : memref<104x128xi32, #tpu.memory_space<vmem>>, vector<1x16xi32>,
      %get3A_392 = vector.shape_cast %get3A_391 : vector<1x16xi32> to vector<16xi32>
      %mul3A_393 = arith.constant -1640531535 : i32
      %mul3A_394 = vector.broadcast %mul3A_393 : i32 to vector<16xi32>
      %mul3A_395 = arith.muli %get3A_392, %mul3A_394 : vector<16xi32>
      %convert_element_type3A_396 = arith.sitofp %mul3A_395 : vector<16xi32> to vector<16xf32>
      %lt3A_397 = arith.constant 0 : i32
      %lt3A_398 = vector.broadcast %lt3A_397 : i32 to vector<16xi32>
      %lt3A_399 = arith.cmpi slt, %mul3A_395, %lt3A_398 : vector<16xi32>
      %add3A_400 = arith.constant 4.2949673E+9 : f32
      %add3A_401 = vector.broadcast %add3A_400 : f32 to vector<16xf32>
      %add3A_402 = arith.addf %convert_element_type3A_396, %add3A_401 : vector<16xf32>
      %select_n3A_403 = arith.select %lt3A_399, %add3A_402, %convert_element_type3A_396 : vector<16xi1>, vector<16xf32>
      %mul3A_404 = arith.constant 9.99999997E-7 : f32
      %mul3A_405 = vector.broadcast %mul3A_404 : f32 to vector<16xf32>
      %mul3A_406 = arith.mulf %select_n3A_403, %mul3A_405 : vector<16xf32>
      %convert_element_type3A_407 = arith.fptosi %mul3A_406 : vector<16xf32> to vector<16xi32>
      %mul3A_408 = arith.constant 1000000 : i32
      %mul3A_409 = vector.broadcast %mul3A_408 : i32 to vector<16xi32>
      %mul3A_410 = arith.muli %convert_element_type3A_407, %mul3A_409 : vector<16xi32>
      %sub3A_411 = arith.subi %mul3A_395, %mul3A_410 : vector<16xi32>
      %lt3A_412 = arith.constant 0 : i32
      %lt3A_413 = vector.broadcast %lt3A_412 : i32 to vector<16xi32>
      %lt3A_414 = arith.cmpi slt, %sub3A_411, %lt3A_413 : vector<16xi32>
      %add3A_415 = arith.constant 1000000 : i32
      %add3A_416 = vector.broadcast %add3A_415 : i32 to vector<16xi32>
      %add3A_417 = arith.addi %sub3A_411, %add3A_416 : vector<16xi32>
      %select_n3A_418 = arith.select %lt3A_414, %add3A_417, %sub3A_411 : vector<16xi1>, vector<16xi32>
      %ge3A_419 = arith.constant 1000000 : i32
      %ge3A_420 = vector.broadcast %ge3A_419 : i32 to vector<16xi32>
      %ge3A_421 = arith.cmpi sge, %select_n3A_418, %ge3A_420 : vector<16xi32>
      %sub3A_422 = arith.constant 1000000 : i32
      %sub3A_423 = vector.broadcast %sub3A_422 : i32 to vector<16xi32>
      %sub3A_424 = arith.subi %select_n3A_418, %sub3A_423 : vector<16xi32>
      %select_n3A_425 = arith.select %ge3A_421, %sub3A_424, %select_n3A_418 : vector<16xi1>, vector<16xi32>
      %swap3A_426 = arith.index_cast %scan3A_227 : i32 to index
      %swap3A_427 = arith.constant 64 : index
      %swap3A_428 = tpu.vector_load %arg5[%swap3A_426, %swap3A_427] {strides = array<i32>} : memref<104x128xi32, #tpu.memory_space<vmem>>, vector<1x16xi32>,
      %swap3A_429 = vector.shape_cast %swap3A_428 : vector<1x16xi32> to vector<16xi32>
      %swap3A_430 = vector.shape_cast %select_n3A_425 : vector<16xi32> to vector<1x16xi32>
      tpu.vector_store %arg5[%swap3A_426, %swap3A_427], %swap3A_430 {strides = array<i32>} : memref<104x128xi32, #tpu.memory_space<vmem>>, vector<1x16xi32>,
      %get3A_431 = arith.index_cast %scan3A_227 : i32 to index
      %get3A_432 = arith.constant 80 : index
      %get3A_433 = tpu.vector_load %arg5[%get3A_431, %get3A_432] {strides = array<i32>} : memref<104x128xi32, #tpu.memory_space<vmem>>, vector<1x16xi32>,
      %get3A_434 = vector.shape_cast %get3A_433 : vector<1x16xi32> to vector<16xi32>
      %mul3A_435 = arith.constant -1640531535 : i32
      %mul3A_436 = vector.broadcast %mul3A_435 : i32 to vector<16xi32>
      %mul3A_437 = arith.muli %get3A_434, %mul3A_436 : vector<16xi32>
      %convert_element_type3A_438 = arith.sitofp %mul3A_437 : vector<16xi32> to vector<16xf32>
      %lt3A_439 = arith.constant 0 : i32
      %lt3A_440 = vector.broadcast %lt3A_439 : i32 to vector<16xi32>
      %lt3A_441 = arith.cmpi slt, %mul3A_437, %lt3A_440 : vector<16xi32>
      %add3A_442 = arith.constant 4.2949673E+9 : f32
      %add3A_443 = vector.broadcast %add3A_442 : f32 to vector<16xf32>
      %add3A_444 = arith.addf %convert_element_type3A_438, %add3A_443 : vector<16xf32>
      %select_n3A_445 = arith.select %lt3A_441, %add3A_444, %convert_element_type3A_438 : vector<16xi1>, vector<16xf32>
      %mul3A_446 = arith.constant 9.99999997E-7 : f32
      %mul3A_447 = vector.broadcast %mul3A_446 : f32 to vector<16xf32>
      %mul3A_448 = arith.mulf %select_n3A_445, %mul3A_447 : vector<16xf32>
      %convert_element_type3A_449 = arith.fptosi %mul3A_448 : vector<16xf32> to vector<16xi32>
      %mul3A_450 = arith.constant 1000000 : i32
      %mul3A_451 = vector.broadcast %mul3A_450 : i32 to vector<16xi32>
      %mul3A_452 = arith.muli %convert_element_type3A_449, %mul3A_451 : vector<16xi32>
      %sub3A_453 = arith.subi %mul3A_437, %mul3A_452 : vector<16xi32>
      %lt3A_454 = arith.constant 0 : i32
      %lt3A_455 = vector.broadcast %lt3A_454 : i32 to vector<16xi32>
      %lt3A_456 = arith.cmpi slt, %sub3A_453, %lt3A_455 : vector<16xi32>
      %add3A_457 = arith.constant 1000000 : i32
      %add3A_458 = vector.broadcast %add3A_457 : i32 to vector<16xi32>
      %add3A_459 = arith.addi %sub3A_453, %add3A_458 : vector<16xi32>
      %select_n3A_460 = arith.select %lt3A_456, %add3A_459, %sub3A_453 : vector<16xi1>, vector<16xi32>
      %ge3A_461 = arith.constant 1000000 : i32
      %ge3A_462 = vector.broadcast %ge3A_461 : i32 to vector<16xi32>
      %ge3A_463 = arith.cmpi sge, %select_n3A_460, %ge3A_462 : vector<16xi32>
      %sub3A_464 = arith.constant 1000000 : i32
      %sub3A_465 = vector.broadcast %sub3A_464 : i32 to vector<16xi32>
      %sub3A_466 = arith.subi %select_n3A_460, %sub3A_465 : vector<16xi32>
      %select_n3A_467 = arith.select %ge3A_463, %sub3A_466, %select_n3A_460 : vector<16xi1>, vector<16xi32>
      %swap3A_468 = arith.index_cast %scan3A_227 : i32 to index
      %swap3A_469 = arith.constant 80 : index
      %swap3A_470 = tpu.vector_load %arg5[%swap3A_468, %swap3A_469] {strides = array<i32>} : memref<104x128xi32, #tpu.memory_space<vmem>>, vector<1x16xi32>,
      %swap3A_471 = vector.shape_cast %swap3A_470 : vector<1x16xi32> to vector<16xi32>
      %swap3A_472 = vector.shape_cast %select_n3A_467 : vector<16xi32> to vector<1x16xi32>
      tpu.vector_store %arg5[%swap3A_468, %swap3A_469], %swap3A_472 {strides = array<i32>} : memref<104x128xi32, #tpu.memory_space<vmem>>, vector<1x16xi32>,
      %get3A_473 = arith.index_cast %scan3A_227 : i32 to index
      %get3A_474 = arith.constant 96 : index
      %get3A_475 = tpu.vector_load %arg5[%get3A_473, %get3A_474] {strides = array<i32>} : memref<104x128xi32, #tpu.memory_space<vmem>>, vector<1x16xi32>,
      %get3A_476 = vector.shape_cast %get3A_475 : vector<1x16xi32> to vector<16xi32>
      %mul3A_477 = arith.constant -1640531535 : i32
      %mul3A_478 = vector.broadcast %mul3A_477 : i32 to vector<16xi32>
      %mul3A_479 = arith.muli %get3A_476, %mul3A_478 : vector<16xi32>
      %convert_element_type3A_480 = arith.sitofp %mul3A_479 : vector<16xi32> to vector<16xf32>
      %lt3A_481 = arith.constant 0 : i32
      %lt3A_482 = vector.broadcast %lt3A_481 : i32 to vector<16xi32>
      %lt3A_483 = arith.cmpi slt, %mul3A_479, %lt3A_482 : vector<16xi32>
      %add3A_484 = arith.constant 4.2949673E+9 : f32
      %add3A_485 = vector.broadcast %add3A_484 : f32 to vector<16xf32>
      %add3A_486 = arith.addf %convert_element_type3A_480, %add3A_485 : vector<16xf32>
      %select_n3A_487 = arith.select %lt3A_483, %add3A_486, %convert_element_type3A_480 : vector<16xi1>, vector<16xf32>
      %mul3A_488 = arith.constant 9.99999997E-7 : f32
      %mul3A_489 = vector.broadcast %mul3A_488 : f32 to vector<16xf32>
      %mul3A_490 = arith.mulf %select_n3A_487, %mul3A_489 : vector<16xf32>
      %convert_element_type3A_491 = arith.fptosi %mul3A_490 : vector<16xf32> to vector<16xi32>
      %mul3A_492 = arith.constant 1000000 : i32
      %mul3A_493 = vector.broadcast %mul3A_492 : i32 to vector<16xi32>
      %mul3A_494 = arith.muli %convert_element_type3A_491, %mul3A_493 : vector<16xi32>
      %sub3A_495 = arith.subi %mul3A_479, %mul3A_494 : vector<16xi32>
      %lt3A_496 = arith.constant 0 : i32
      %lt3A_497 = vector.broadcast %lt3A_496 : i32 to vector<16xi32>
      %lt3A_498 = arith.cmpi slt, %sub3A_495, %lt3A_497 : vector<16xi32>
      %add3A_499 = arith.constant 1000000 : i32
      %add3A_500 = vector.broadcast %add3A_499 : i32 to vector<16xi32>
      %add3A_501 = arith.addi %sub3A_495, %add3A_500 : vector<16xi32>
      %select_n3A_502 = arith.select %lt3A_498, %add3A_501, %sub3A_495 : vector<16xi1>, vector<16xi32>
      %ge3A_503 = arith.constant 1000000 : i32
      %ge3A_504 = vector.broadcast %ge3A_503 : i32 to vector<16xi32>
      %ge3A_505 = arith.cmpi sge, %select_n3A_502, %ge3A_504 : vector<16xi32>
      %sub3A_506 = arith.constant 1000000 : i32
      %sub3A_507 = vector.broadcast %sub3A_506 : i32 to vector<16xi32>
      %sub3A_508 = arith.subi %select_n3A_502, %sub3A_507 : vector<16xi32>
      %select_n3A_509 = arith.select %ge3A_505, %sub3A_508, %select_n3A_502 : vector<16xi1>, vector<16xi32>
      %swap3A_510 = arith.index_cast %scan3A_227 : i32 to index
      %swap3A_511 = arith.constant 96 : index
      %swap3A_512 = tpu.vector_load %arg5[%swap3A_510, %swap3A_511] {strides = array<i32>} : memref<104x128xi32, #tpu.memory_space<vmem>>, vector<1x16xi32>,
      %swap3A_513 = vector.shape_cast %swap3A_512 : vector<1x16xi32> to vector<16xi32>
      %swap3A_514 = vector.shape_cast %select_n3A_509 : vector<16xi32> to vector<1x16xi32>
      tpu.vector_store %arg5[%swap3A_510, %swap3A_511], %swap3A_514 {strides = array<i32>} : memref<104x128xi32, #tpu.memory_space<vmem>>, vector<1x16xi32>,
      %get3A_515 = arith.index_cast %scan3A_227 : i32 to index
      %get3A_516 = arith.constant 112 : index
      %get3A_517 = tpu.vector_load %arg5[%get3A_515, %get3A_516] {strides = array<i32>} : memref<104x128xi32, #tpu.memory_space<vmem>>, vector<1x16xi32>,
      %get3A_518 = vector.shape_cast %get3A_517 : vector<1x16xi32> to vector<16xi32>
      %mul3A_519 = arith.constant -1640531535 : i32
      %mul3A_520 = vector.broadcast %mul3A_519 : i32 to vector<16xi32>
      %mul3A_521 = arith.muli %get3A_518, %mul3A_520 : vector<16xi32>
      %convert_element_type3A_522 = arith.sitofp %mul3A_521 : vector<16xi32> to vector<16xf32>
      %lt3A_523 = arith.constant 0 : i32
      %lt3A_524 = vector.broadcast %lt3A_523 : i32 to vector<16xi32>
      %lt3A_525 = arith.cmpi slt, %mul3A_521, %lt3A_524 : vector<16xi32>
      %add3A_526 = arith.constant 4.2949673E+9 : f32
      %add3A_527 = vector.broadcast %add3A_526 : f32 to vector<16xf32>
      %add3A_528 = arith.addf %convert_element_type3A_522, %add3A_527 : vector<16xf32>
      %select_n3A_529 = arith.select %lt3A_525, %add3A_528, %convert_element_type3A_522 : vector<16xi1>, vector<16xf32>
      %mul3A_530 = arith.constant 9.99999997E-7 : f32
      %mul3A_531 = vector.broadcast %mul3A_530 : f32 to vector<16xf32>
      %mul3A_532 = arith.mulf %select_n3A_529, %mul3A_531 : vector<16xf32>
      %convert_element_type3A_533 = arith.fptosi %mul3A_532 : vector<16xf32> to vector<16xi32>
      %mul3A_534 = arith.constant 1000000 : i32
      %mul3A_535 = vector.broadcast %mul3A_534 : i32 to vector<16xi32>
      %mul3A_536 = arith.muli %convert_element_type3A_533, %mul3A_535 : vector<16xi32>
      %sub3A_537 = arith.subi %mul3A_521, %mul3A_536 : vector<16xi32>
      %lt3A_538 = arith.constant 0 : i32
      %lt3A_539 = vector.broadcast %lt3A_538 : i32 to vector<16xi32>
      %lt3A_540 = arith.cmpi slt, %sub3A_537, %lt3A_539 : vector<16xi32>
      %add3A_541 = arith.constant 1000000 : i32
      %add3A_542 = vector.broadcast %add3A_541 : i32 to vector<16xi32>
      %add3A_543 = arith.addi %sub3A_537, %add3A_542 : vector<16xi32>
      %select_n3A_544 = arith.select %lt3A_540, %add3A_543, %sub3A_537 : vector<16xi1>, vector<16xi32>
      %ge3A_545 = arith.constant 1000000 : i32
      %ge3A_546 = vector.broadcast %ge3A_545 : i32 to vector<16xi32>
      %ge3A_547 = arith.cmpi sge, %select_n3A_544, %ge3A_546 : vector<16xi32>
      %sub3A_548 = arith.constant 1000000 : i32
      %sub3A_549 = vector.broadcast %sub3A_548 : i32 to vector<16xi32>
      %sub3A_550 = arith.subi %select_n3A_544, %sub3A_549 : vector<16xi32>
      %select_n3A_551 = arith.select %ge3A_547, %sub3A_550, %select_n3A_544 : vector<16xi1>, vector<16xi32>
      %swap3A_552 = arith.index_cast %scan3A_227 : i32 to index
      %swap3A_553 = arith.constant 112 : index
      %swap3A_554 = tpu.vector_load %arg5[%swap3A_552, %swap3A_553] {strides = array<i32>} : memref<104x128xi32, #tpu.memory_space<vmem>>, vector<1x16xi32>,
      %swap3A_555 = vector.shape_cast %swap3A_554 : vector<1x16xi32> to vector<16xi32>
      %swap3A_556 = vector.shape_cast %select_n3A_551 : vector<16xi32> to vector<1x16xi32>
      tpu.vector_store %arg5[%swap3A_552, %swap3A_553], %swap3A_556 {strides = array<i32>} : memref<104x128xi32, #tpu.memory_space<vmem>>, vector<1x16xi32>,
    }
    %scan3A_7 = arith.constant 104 : i32
    %dma_start3A = arith.constant 0 : i32
    %dma_start3A_8 = arith.constant 0 : i32
    %dma_start3A_9 = arith.constant 0 : i32
    %dma_start3A_10 = arith.constant 0 : i32
    %dma_start3A_11 = tpu.memref_slice %arg6[%dma_start3A_8, %dma_start3A_9, %dma_start3A_10] : memref<8x128x32xf32, #tpu.memory_space<vmem>> -> memref<1x128x32xf32, #tpu.memory_space<vmem>>
    %dma_start3A_12 = tpu.memref_squeeze %dma_start3A_11 : memref<1x128x32xf32, #tpu.memory_space<vmem>> -> memref<128x32xf32, #tpu.memory_space<vmem>>
    %dma_start3A_13 = arith.constant 0 : i32
    %dma_start3A_14 = tpu.memref_slice %arg5[%dma_start3A, %dma_start3A_13] : memref<104x128xi32, #tpu.memory_space<vmem>> -> memref<1x128xi32, #tpu.memory_space<vmem>>
    %dma_start3A_15 = tpu.memref_squeeze %dma_start3A_14 : memref<1x128xi32, #tpu.memory_space<vmem>> -> memref<128xi32, #tpu.memory_space<vmem>>
    %dma_start3A_16 = arith.constant 0 : i32
    %dma_start3A_17 = arith.constant 0 : i32
    %dma_start3A_18 = tpu.memref_slice %arg3[%dma_start3A_16, %dma_start3A_17] : memref<1000000x32xf32, #tpu.memory_space<hbm>> -> memref<1000000x32xf32, #tpu.memory_space<hbm>>
    tpu.enqueue_indirect_dma source(%dma_start3A_18 : memref<1000000x32xf32, #tpu.memory_space<hbm>>) target(%dma_start3A_12 : memref<128x32xf32, #tpu.memory_space<vmem>>) offsets(%dma_start3A_15 : memref<128xi32, #tpu.memory_space<vmem>>) semaphore(%arg7 : memref<!tpu.dma_semaphore, #tpu.memory_space<semaphore_mem>>)
    %dma_start3A_19 = arith.constant 1 : i32
    %dma_start3A_20 = arith.constant 1 : i32
    %dma_start3A_21 = arith.constant 0 : i32
    %dma_start3A_22 = arith.constant 0 : i32
    %dma_start3A_23 = tpu.memref_slice %arg6[%dma_start3A_20, %dma_start3A_21, %dma_start3A_22] : memref<8x128x32xf32, #tpu.memory_space<vmem>> -> memref<1x128x32xf32, #tpu.memory_space<vmem>>
    %dma_start3A_24 = tpu.memref_squeeze %dma_start3A_23 : memref<1x128x32xf32, #tpu.memory_space<vmem>> -> memref<128x32xf32, #tpu.memory_space<vmem>>
    %dma_start3A_25 = arith.constant 0 : i32
    %dma_start3A_26 = tpu.memref_slice %arg5[%dma_start3A_19, %dma_start3A_25] : memref<104x128xi32, #tpu.memory_space<vmem>> -> memref<1x128xi32, #tpu.memory_space<vmem>>
    %dma_start3A_27 = tpu.memref_squeeze %dma_start3A_26 : memref<1x128xi32, #tpu.memory_space<vmem>> -> memref<128xi32, #tpu.memory_space<vmem>>
    %dma_start3A_28 = arith.constant 0 : i32
    %dma_start3A_29 = arith.constant 0 : i32
    %dma_start3A_30 = tpu.memref_slice %arg3[%dma_start3A_28, %dma_start3A_29] : memref<1000000x32xf32, #tpu.memory_space<hbm>> -> memref<1000000x32xf32, #tpu.memory_space<hbm>>
    tpu.enqueue_indirect_dma source(%dma_start3A_30 : memref<1000000x32xf32, #tpu.memory_space<hbm>>) target(%dma_start3A_24 : memref<128x32xf32, #tpu.memory_space<vmem>>) offsets(%dma_start3A_27 : memref<128xi32, #tpu.memory_space<vmem>>) semaphore(%arg8 : memref<!tpu.dma_semaphore, #tpu.memory_space<semaphore_mem>>)
    %dma_start3A_31 = arith.constant 2 : i32
    %dma_start3A_32 = arith.constant 2 : i32
    %dma_start3A_33 = arith.constant 0 : i32
    %dma_start3A_34 = arith.constant 0 : i32
    %dma_start3A_35 = tpu.memref_slice %arg6[%dma_start3A_32, %dma_start3A_33, %dma_start3A_34] : memref<8x128x32xf32, #tpu.memory_space<vmem>> -> memref<1x128x32xf32, #tpu.memory_space<vmem>>
    %dma_start3A_36 = tpu.memref_squeeze %dma_start3A_35 : memref<1x128x32xf32, #tpu.memory_space<vmem>> -> memref<128x32xf32, #tpu.memory_space<vmem>>
    %dma_start3A_37 = arith.constant 0 : i32
    %dma_start3A_38 = tpu.memref_slice %arg5[%dma_start3A_31, %dma_start3A_37] : memref<104x128xi32, #tpu.memory_space<vmem>> -> memref<1x128xi32, #tpu.memory_space<vmem>>
    %dma_start3A_39 = tpu.memref_squeeze %dma_start3A_38 : memref<1x128xi32, #tpu.memory_space<vmem>> -> memref<128xi32, #tpu.memory_space<vmem>>
    %dma_start3A_40 = arith.constant 0 : i32
    %dma_start3A_41 = arith.constant 0 : i32
    %dma_start3A_42 = tpu.memref_slice %arg3[%dma_start3A_40, %dma_start3A_41] : memref<1000000x32xf32, #tpu.memory_space<hbm>> -> memref<1000000x32xf32, #tpu.memory_space<hbm>>
    tpu.enqueue_indirect_dma source(%dma_start3A_42 : memref<1000000x32xf32, #tpu.memory_space<hbm>>) target(%dma_start3A_36 : memref<128x32xf32, #tpu.memory_space<vmem>>) offsets(%dma_start3A_39 : memref<128xi32, #tpu.memory_space<vmem>>) semaphore(%arg9 : memref<!tpu.dma_semaphore, #tpu.memory_space<semaphore_mem>>)
    %dma_start3A_43 = arith.constant 3 : i32
    %dma_start3A_44 = arith.constant 3 : i32
    %dma_start3A_45 = arith.constant 0 : i32
    %dma_start3A_46 = arith.constant 0 : i32
    %dma_start3A_47 = tpu.memref_slice %arg6[%dma_start3A_44, %dma_start3A_45, %dma_start3A_46] : memref<8x128x32xf32, #tpu.memory_space<vmem>> -> memref<1x128x32xf32, #tpu.memory_space<vmem>>
    %dma_start3A_48 = tpu.memref_squeeze %dma_start3A_47 : memref<1x128x32xf32, #tpu.memory_space<vmem>> -> memref<128x32xf32, #tpu.memory_space<vmem>>
    %dma_start3A_49 = arith.constant 0 : i32
    %dma_start3A_50 = tpu.memref_slice %arg5[%dma_start3A_43, %dma_start3A_49] : memref<104x128xi32, #tpu.memory_space<vmem>> -> memref<1x128xi32, #tpu.memory_space<vmem>>
    %dma_start3A_51 = tpu.memref_squeeze %dma_start3A_50 : memref<1x128xi32, #tpu.memory_space<vmem>> -> memref<128xi32, #tpu.memory_space<vmem>>
    %dma_start3A_52 = arith.constant 0 : i32
    %dma_start3A_53 = arith.constant 0 : i32
    %dma_start3A_54 = tpu.memref_slice %arg3[%dma_start3A_52, %dma_start3A_53] : memref<1000000x32xf32, #tpu.memory_space<hbm>> -> memref<1000000x32xf32, #tpu.memory_space<hbm>>
    tpu.enqueue_indirect_dma source(%dma_start3A_54 : memref<1000000x32xf32, #tpu.memory_space<hbm>>) target(%dma_start3A_48 : memref<128x32xf32, #tpu.memory_space<vmem>>) offsets(%dma_start3A_51 : memref<128xi32, #tpu.memory_space<vmem>>) semaphore(%arg10 : memref<!tpu.dma_semaphore, #tpu.memory_space<semaphore_mem>>)
    %dma_start3A_55 = arith.constant 4 : i32
    %dma_start3A_56 = arith.constant 4 : i32
    %dma_start3A_57 = arith.constant 0 : i32
    %dma_start3A_58 = arith.constant 0 : i32
    %dma_start3A_59 = tpu.memref_slice %arg6[%dma_start3A_56, %dma_start3A_57, %dma_start3A_58] : memref<8x128x32xf32, #tpu.memory_space<vmem>> -> memref<1x128x32xf32, #tpu.memory_space<vmem>>
    %dma_start3A_60 = tpu.memref_squeeze %dma_start3A_59 : memref<1x128x32xf32, #tpu.memory_space<vmem>> -> memref<128x32xf32, #tpu.memory_space<vmem>>
    %dma_start3A_61 = arith.constant 0 : i32
    %dma_start3A_62 = tpu.memref_slice %arg5[%dma_start3A_55, %dma_start3A_61] : memref<104x128xi32, #tpu.memory_space<vmem>> -> memref<1x128xi32, #tpu.memory_space<vmem>>
    %dma_start3A_63 = tpu.memref_squeeze %dma_start3A_62 : memref<1x128xi32, #tpu.memory_space<vmem>> -> memref<128xi32, #tpu.memory_space<vmem>>
    %dma_start3A_64 = arith.constant 0 : i32
    %dma_start3A_65 = arith.constant 0 : i32
    %dma_start3A_66 = tpu.memref_slice %arg3[%dma_start3A_64, %dma_start3A_65] : memref<1000000x32xf32, #tpu.memory_space<hbm>> -> memref<1000000x32xf32, #tpu.memory_space<hbm>>
    tpu.enqueue_indirect_dma source(%dma_start3A_66 : memref<1000000x32xf32, #tpu.memory_space<hbm>>) target(%dma_start3A_60 : memref<128x32xf32, #tpu.memory_space<vmem>>) offsets(%dma_start3A_63 : memref<128xi32, #tpu.memory_space<vmem>>) semaphore(%arg11 : memref<!tpu.dma_semaphore, #tpu.memory_space<semaphore_mem>>)
    %dma_start3A_67 = arith.constant 5 : i32
    %dma_start3A_68 = arith.constant 5 : i32
    %dma_start3A_69 = arith.constant 0 : i32
    %dma_start3A_70 = arith.constant 0 : i32
    %dma_start3A_71 = tpu.memref_slice %arg6[%dma_start3A_68, %dma_start3A_69, %dma_start3A_70] : memref<8x128x32xf32, #tpu.memory_space<vmem>> -> memref<1x128x32xf32, #tpu.memory_space<vmem>>
    %dma_start3A_72 = tpu.memref_squeeze %dma_start3A_71 : memref<1x128x32xf32, #tpu.memory_space<vmem>> -> memref<128x32xf32, #tpu.memory_space<vmem>>
    %dma_start3A_73 = arith.constant 0 : i32
    %dma_start3A_74 = tpu.memref_slice %arg5[%dma_start3A_67, %dma_start3A_73] : memref<104x128xi32, #tpu.memory_space<vmem>> -> memref<1x128xi32, #tpu.memory_space<vmem>>
    %dma_start3A_75 = tpu.memref_squeeze %dma_start3A_74 : memref<1x128xi32, #tpu.memory_space<vmem>> -> memref<128xi32, #tpu.memory_space<vmem>>
    %dma_start3A_76 = arith.constant 0 : i32
    %dma_start3A_77 = arith.constant 0 : i32
    %dma_start3A_78 = tpu.memref_slice %arg3[%dma_start3A_76, %dma_start3A_77] : memref<1000000x32xf32, #tpu.memory_space<hbm>> -> memref<1000000x32xf32, #tpu.memory_space<hbm>>
    tpu.enqueue_indirect_dma source(%dma_start3A_78 : memref<1000000x32xf32, #tpu.memory_space<hbm>>) target(%dma_start3A_72 : memref<128x32xf32, #tpu.memory_space<vmem>>) offsets(%dma_start3A_75 : memref<128xi32, #tpu.memory_space<vmem>>) semaphore(%arg12 : memref<!tpu.dma_semaphore, #tpu.memory_space<semaphore_mem>>)
    %dma_start3A_79 = arith.constant 6 : i32
    %dma_start3A_80 = arith.constant 6 : i32
    %dma_start3A_81 = arith.constant 0 : i32
    %dma_start3A_82 = arith.constant 0 : i32
    %dma_start3A_83 = tpu.memref_slice %arg6[%dma_start3A_80, %dma_start3A_81, %dma_start3A_82] : memref<8x128x32xf32, #tpu.memory_space<vmem>> -> memref<1x128x32xf32, #tpu.memory_space<vmem>>
    %dma_start3A_84 = tpu.memref_squeeze %dma_start3A_83 : memref<1x128x32xf32, #tpu.memory_space<vmem>> -> memref<128x32xf32, #tpu.memory_space<vmem>>
    %dma_start3A_85 = arith.constant 0 : i32
    %dma_start3A_86 = tpu.memref_slice %arg5[%dma_start3A_79, %dma_start3A_85] : memref<104x128xi32, #tpu.memory_space<vmem>> -> memref<1x128xi32, #tpu.memory_space<vmem>>
    %dma_start3A_87 = tpu.memref_squeeze %dma_start3A_86 : memref<1x128xi32, #tpu.memory_space<vmem>> -> memref<128xi32, #tpu.memory_space<vmem>>
    %dma_start3A_88 = arith.constant 0 : i32
    %dma_start3A_89 = arith.constant 0 : i32
    %dma_start3A_90 = tpu.memref_slice %arg3[%dma_start3A_88, %dma_start3A_89] : memref<1000000x32xf32, #tpu.memory_space<hbm>> -> memref<1000000x32xf32, #tpu.memory_space<hbm>>
    tpu.enqueue_indirect_dma source(%dma_start3A_90 : memref<1000000x32xf32, #tpu.memory_space<hbm>>) target(%dma_start3A_84 : memref<128x32xf32, #tpu.memory_space<vmem>>) offsets(%dma_start3A_87 : memref<128xi32, #tpu.memory_space<vmem>>) semaphore(%arg13 : memref<!tpu.dma_semaphore, #tpu.memory_space<semaphore_mem>>)
    %dma_start3A_91 = arith.constant 7 : i32
    %dma_start3A_92 = arith.constant 7 : i32
    %dma_start3A_93 = arith.constant 0 : i32
    %dma_start3A_94 = arith.constant 0 : i32
    %dma_start3A_95 = tpu.memref_slice %arg6[%dma_start3A_92, %dma_start3A_93, %dma_start3A_94] : memref<8x128x32xf32, #tpu.memory_space<vmem>> -> memref<1x128x32xf32, #tpu.memory_space<vmem>>
    %dma_start3A_96 = tpu.memref_squeeze %dma_start3A_95 : memref<1x128x32xf32, #tpu.memory_space<vmem>> -> memref<128x32xf32, #tpu.memory_space<vmem>>
    %dma_start3A_97 = arith.constant 0 : i32
    %dma_start3A_98 = tpu.memref_slice %arg5[%dma_start3A_91, %dma_start3A_97] : memref<104x128xi32, #tpu.memory_space<vmem>> -> memref<1x128xi32, #tpu.memory_space<vmem>>
    %dma_start3A_99 = tpu.memref_squeeze %dma_start3A_98 : memref<1x128xi32, #tpu.memory_space<vmem>> -> memref<128xi32, #tpu.memory_space<vmem>>
    %dma_start3A_100 = arith.constant 0 : i32
    %dma_start3A_101 = arith.constant 0 : i32
    %dma_start3A_102 = tpu.memref_slice %arg3[%dma_start3A_100, %dma_start3A_101] : memref<1000000x32xf32, #tpu.memory_space<hbm>> -> memref<1000000x32xf32, #tpu.memory_space<hbm>>
    tpu.enqueue_indirect_dma source(%dma_start3A_102 : memref<1000000x32xf32, #tpu.memory_space<hbm>>) target(%dma_start3A_96 : memref<128x32xf32, #tpu.memory_space<vmem>>) offsets(%dma_start3A_99 : memref<128xi32, #tpu.memory_space<vmem>>) semaphore(%arg14 : memref<!tpu.dma_semaphore, #tpu.memory_space<semaphore_mem>>)
    %scan3A_103 = arith.constant 0 : i32
    %scan3A_104 = arith.constant 0 : i32
    %scan3A_105 = arith.constant 12 : i32
    %scan3A_106 = arith.addi %scan3A_104, %scan3A_105 : i32
    %scan3A_107 = arith.constant 1 : i32
    scf.for %scan3A_227 = %scan3A_104 to %scan3A_106 step %scan3A_107  : i32 {
      %mul3A_228 = arith.constant 8 : i32
      %mul3A_229 = arith.muli %scan3A_227, %mul3A_228 : i32
      %add3A_230 = arith.constant 0 : i32
      %add3A_231 = arith.addi %mul3A_229, %add3A_230 : i32
      %dma_wait3A_232 = arith.constant 0 : i32
      %dma_wait3A_233 = arith.constant 0 : i32
      %dma_wait3A_234 = arith.constant 0 : i32
      %dma_wait3A_235 = tpu.memref_slice %arg6[%dma_wait3A_232, %dma_wait3A_233, %dma_wait3A_234] : memref<8x128x32xf32, #tpu.memory_space<vmem>> -> memref<1x128x32xf32, #tpu.memory_space<vmem>>
      %dma_wait3A_236 = tpu.memref_squeeze %dma_wait3A_235 : memref<1x128x32xf32, #tpu.memory_space<vmem>> -> memref<128x32xf32, #tpu.memory_space<vmem>>
      %dma_wait3A_237 = arith.constant 0 : i32
      %dma_wait3A_238 = tpu.memref_slice %arg5[%add3A_231, %dma_wait3A_237] : memref<104x128xi32, #tpu.memory_space<vmem>> -> memref<1x128xi32, #tpu.memory_space<vmem>>
      %dma_wait3A_239 = tpu.memref_squeeze %dma_wait3A_238 : memref<1x128xi32, #tpu.memory_space<vmem>> -> memref<128xi32, #tpu.memory_space<vmem>>
      %dma_wait3A_240 = arith.constant 0 : i32
      %dma_wait3A_241 = arith.constant 0 : i32
      %dma_wait3A_242 = tpu.memref_slice %arg3[%dma_wait3A_240, %dma_wait3A_241] : memref<1000000x32xf32, #tpu.memory_space<hbm>> -> memref<1000000x32xf32, #tpu.memory_space<hbm>>
      tpu.wait_indirect_dma semaphore(%arg7 : memref<!tpu.dma_semaphore, #tpu.memory_space<semaphore_mem>>) src(%dma_wait3A_242 : memref<1000000x32xf32, #tpu.memory_space<hbm>>) dst(%dma_wait3A_236 : memref<128x32xf32, #tpu.memory_space<vmem>>)
      %mul3A_243 = arith.constant 128 : i32
      %mul3A_244 = arith.muli %add3A_231, %mul3A_243 : i32
      %add3A_245 = arith.addi %mul3A_2, %mul3A_244 : i32
      %run_scoped3A_246 = arith.constant 0 : i32
      "tpu.region"() ({
        %run_scoped3A_484 = tpu.sem_alloc : memref<!tpu.dma_semaphore, #tpu.memory_space<semaphore_mem>>
        %dma_start3A_485 = arith.constant 0 : i32
        %dma_start3A_486 = arith.constant 0 : i32
        %dma_start3A_487 = tpu.memref_slice %arg6[%run_scoped3A_246, %dma_start3A_485, %dma_start3A_486] : memref<8x128x32xf32, #tpu.memory_space<vmem>> -> memref<1x128x32xf32, #tpu.memory_space<vmem>>
        %dma_start3A_488 = tpu.memref_squeeze %dma_start3A_487 : memref<1x128x32xf32, #tpu.memory_space<vmem>> -> memref<128x32xf32, #tpu.memory_space<vmem>>
        %dma_start3A_489 = arith.constant 0 : i32
        %dma_start3A_490 = tpu.memref_slice %arg4[%add3A_245, %dma_start3A_489] : memref<425984x32xf32, #tpu.memory_space<hbm>> -> memref<128x32xf32, #tpu.memory_space<hbm>>
        %dma_start3A_491 = arith.constant 0 : i32
        %dma_start3A_492 = tpu.memref_slice %arg4[%add3A_245, %dma_start3A_491] : memref<425984x32xf32, #tpu.memory_space<hbm>> -> memref<128x32xf32, #tpu.memory_space<hbm>>
        %dma_start3A_493 = arith.constant 0 : i32
        %dma_start3A_494 = arith.constant 0 : i32
        %dma_start3A_495 = tpu.memref_slice %arg6[%run_scoped3A_246, %dma_start3A_493, %dma_start3A_494] : memref<8x128x32xf32, #tpu.memory_space<vmem>> -> memref<1x128x32xf32, #tpu.memory_space<vmem>>
        %dma_start3A_496 = tpu.memref_squeeze %dma_start3A_495 : memref<1x128x32xf32, #tpu.memory_space<vmem>> -> memref<128x32xf32, #tpu.memory_space<vmem>>
        tpu.enqueue_dma source(%dma_start3A_496 : memref<128x32xf32, #tpu.memory_space<vmem>>) target(%dma_start3A_492 : memref<128x32xf32, #tpu.memory_space<hbm>>) target_semaphore(%run_scoped3A_484 : memref<!tpu.dma_semaphore, #tpu.memory_space<semaphore_mem>>)
        %dma_wait3A_497 = arith.constant 0 : i32
        %dma_wait3A_498 = arith.constant 0 : i32
        %dma_wait3A_499 = tpu.memref_slice %arg6[%run_scoped3A_246, %dma_wait3A_497, %dma_wait3A_498] : memref<8x128x32xf32, #tpu.memory_space<vmem>> -> memref<1x128x32xf32, #tpu.memory_space<vmem>>
        %dma_wait3A_500 = tpu.memref_squeeze %dma_wait3A_499 : memref<1x128x32xf32, #tpu.memory_space<vmem>> -> memref<128x32xf32, #tpu.memory_space<vmem>>
        %dma_wait3A_501 = arith.constant 0 : i32
        %dma_wait3A_502 = tpu.memref_slice %arg4[%add3A_245, %dma_wait3A_501] : memref<425984x32xf32, #tpu.memory_space<hbm>> -> memref<128x32xf32, #tpu.memory_space<hbm>>
        %dma_wait3A_503 = arith.constant 0 : i32
        %dma_wait3A_504 = tpu.memref_slice %arg4[%add3A_245, %dma_wait3A_503] : memref<425984x32xf32, #tpu.memory_space<hbm>> -> memref<128x32xf32, #tpu.memory_space<hbm>>
        %dma_wait3A_505 = arith.constant 0 : i32
        %dma_wait3A_506 = arith.constant 0 : i32
        %dma_wait3A_507 = tpu.memref_slice %arg6[%run_scoped3A_246, %dma_wait3A_505, %dma_wait3A_506] : memref<8x128x32xf32, #tpu.memory_space<vmem>> -> memref<1x128x32xf32, #tpu.memory_space<vmem>>
        %dma_wait3A_508 = tpu.memref_squeeze %dma_wait3A_507 : memref<1x128x32xf32, #tpu.memory_space<vmem>> -> memref<128x32xf32, #tpu.memory_space<vmem>>
        tpu.wait_dma2 semaphore(%run_scoped3A_484 : memref<!tpu.dma_semaphore, #tpu.memory_space<semaphore_mem>>) src(%dma_wait3A_508 : memref<128x32xf32, #tpu.memory_space<vmem>>) dst(%dma_wait3A_504 : memref<128x32xf32, #tpu.memory_space<hbm>>)
        tpu.yield
      }) : () -> ()
      %add3A_247 = arith.constant 8 : i32
      %add3A_248 = arith.addi %add3A_231, %add3A_247 : i32
      %dma_start3A_249 = arith.constant 0 : i32
      %dma_start3A_250 = arith.constant 0 : i32
      %dma_start3A_251 = arith.constant 0 : i32
      %dma_start3A_252 = tpu.memref_slice %arg6[%dma_start3A_249, %dma_start3A_250, %dma_start3A_251] : memref<8x128x32xf32, #tpu.memory_space<vmem>> -> memref<1x128x32xf32, #tpu.memory_space<vmem>>
      %dma_start3A_253 = tpu.memref_squeeze %dma_start3A_252 : memref<1x128x32xf32, #tpu.memory_space<vmem>> -> memref<128x32xf32, #tpu.memory_space<vmem>>
      %dma_start3A_254 = arith.constant 0 : i32
      %dma_start3A_255 = tpu.memref_slice %arg5[%add3A_248, %dma_start3A_254] : memref<104x128xi32, #tpu.memory_space<vmem>> -> memref<1x128xi32, #tpu.memory_space<vmem>>
      %dma_start3A_256 = tpu.memref_squeeze %dma_start3A_255 : memref<1x128xi32, #tpu.memory_space<vmem>> -> memref<128xi32, #tpu.memory_space<vmem>>
      %dma_start3A_257 = arith.constant 0 : i32
      %dma_start3A_258 = arith.constant 0 : i32
      %dma_start3A_259 = tpu.memref_slice %arg3[%dma_start3A_257, %dma_start3A_258] : memref<1000000x32xf32, #tpu.memory_space<hbm>> -> memref<1000000x32xf32, #tpu.memory_space<hbm>>
      tpu.enqueue_indirect_dma source(%dma_start3A_259 : memref<1000000x32xf32, #tpu.memory_space<hbm>>) target(%dma_start3A_253 : memref<128x32xf32, #tpu.memory_space<vmem>>) offsets(%dma_start3A_256 : memref<128xi32, #tpu.memory_space<vmem>>) semaphore(%arg7 : memref<!tpu.dma_semaphore, #tpu.memory_space<semaphore_mem>>)
      %mul3A_260 = arith.constant 8 : i32
      %mul3A_261 = arith.muli %scan3A_227, %mul3A_260 : i32
      %add3A_262 = arith.constant 1 : i32
      %add3A_263 = arith.addi %mul3A_261, %add3A_262 : i32
      %dma_wait3A_264 = arith.constant 1 : i32
      %dma_wait3A_265 = arith.constant 0 : i32
      %dma_wait3A_266 = arith.constant 0 : i32
      %dma_wait3A_267 = tpu.memref_slice %arg6[%dma_wait3A_264, %dma_wait3A_265, %dma_wait3A_266] : memref<8x128x32xf32, #tpu.memory_space<vmem>> -> memref<1x128x32xf32, #tpu.memory_space<vmem>>
      %dma_wait3A_268 = tpu.memref_squeeze %dma_wait3A_267 : memref<1x128x32xf32, #tpu.memory_space<vmem>> -> memref<128x32xf32, #tpu.memory_space<vmem>>
      %dma_wait3A_269 = arith.constant 0 : i32
      %dma_wait3A_270 = tpu.memref_slice %arg5[%add3A_263, %dma_wait3A_269] : memref<104x128xi32, #tpu.memory_space<vmem>> -> memref<1x128xi32, #tpu.memory_space<vmem>>
      %dma_wait3A_271 = tpu.memref_squeeze %dma_wait3A_270 : memref<1x128xi32, #tpu.memory_space<vmem>> -> memref<128xi32, #tpu.memory_space<vmem>>
      %dma_wait3A_272 = arith.constant 0 : i32
      %dma_wait3A_273 = arith.constant 0 : i32
      %dma_wait3A_274 = tpu.memref_slice %arg3[%dma_wait3A_272, %dma_wait3A_273] : memref<1000000x32xf32, #tpu.memory_space<hbm>> -> memref<1000000x32xf32, #tpu.memory_space<hbm>>
      tpu.wait_indirect_dma semaphore(%arg8 : memref<!tpu.dma_semaphore, #tpu.memory_space<semaphore_mem>>) src(%dma_wait3A_274 : memref<1000000x32xf32, #tpu.memory_space<hbm>>) dst(%dma_wait3A_268 : memref<128x32xf32, #tpu.memory_space<vmem>>)
      %mul3A_275 = arith.constant 128 : i32
      %mul3A_276 = arith.muli %add3A_263, %mul3A_275 : i32
      %add3A_277 = arith.addi %mul3A_2, %mul3A_276 : i32
      %run_scoped3A_278 = arith.constant 1 : i32
      "tpu.region"() ({
        %run_scoped3A_484 = tpu.sem_alloc : memref<!tpu.dma_semaphore, #tpu.memory_space<semaphore_mem>>
        %dma_start3A_485 = arith.constant 0 : i32
        %dma_start3A_486 = arith.constant 0 : i32
        %dma_start3A_487 = tpu.memref_slice %arg6[%run_scoped3A_278, %dma_start3A_485, %dma_start3A_486] : memref<8x128x32xf32, #tpu.memory_space<vmem>> -> memref<1x128x32xf32, #tpu.memory_space<vmem>>
        %dma_start3A_488 = tpu.memref_squeeze %dma_start3A_487 : memref<1x128x32xf32, #tpu.memory_space<vmem>> -> memref<128x32xf32, #tpu.memory_space<vmem>>
        %dma_start3A_489 = arith.constant 0 : i32
        %dma_start3A_490 = tpu.memref_slice %arg4[%add3A_277, %dma_start3A_489] : memref<425984x32xf32, #tpu.memory_space<hbm>> -> memref<128x32xf32, #tpu.memory_space<hbm>>
        %dma_start3A_491 = arith.constant 0 : i32
        %dma_start3A_492 = tpu.memref_slice %arg4[%add3A_277, %dma_start3A_491] : memref<425984x32xf32, #tpu.memory_space<hbm>> -> memref<128x32xf32, #tpu.memory_space<hbm>>
        %dma_start3A_493 = arith.constant 0 : i32
        %dma_start3A_494 = arith.constant 0 : i32
        %dma_start3A_495 = tpu.memref_slice %arg6[%run_scoped3A_278, %dma_start3A_493, %dma_start3A_494] : memref<8x128x32xf32, #tpu.memory_space<vmem>> -> memref<1x128x32xf32, #tpu.memory_space<vmem>>
        %dma_start3A_496 = tpu.memref_squeeze %dma_start3A_495 : memref<1x128x32xf32, #tpu.memory_space<vmem>> -> memref<128x32xf32, #tpu.memory_space<vmem>>
        tpu.enqueue_dma source(%dma_start3A_496 : memref<128x32xf32, #tpu.memory_space<vmem>>) target(%dma_start3A_492 : memref<128x32xf32, #tpu.memory_space<hbm>>) target_semaphore(%run_scoped3A_484 : memref<!tpu.dma_semaphore, #tpu.memory_space<semaphore_mem>>)
        %dma_wait3A_497 = arith.constant 0 : i32
        %dma_wait3A_498 = arith.constant 0 : i32
        %dma_wait3A_499 = tpu.memref_slice %arg6[%run_scoped3A_278, %dma_wait3A_497, %dma_wait3A_498] : memref<8x128x32xf32, #tpu.memory_space<vmem>> -> memref<1x128x32xf32, #tpu.memory_space<vmem>>
        %dma_wait3A_500 = tpu.memref_squeeze %dma_wait3A_499 : memref<1x128x32xf32, #tpu.memory_space<vmem>> -> memref<128x32xf32, #tpu.memory_space<vmem>>
        %dma_wait3A_501 = arith.constant 0 : i32
        %dma_wait3A_502 = tpu.memref_slice %arg4[%add3A_277, %dma_wait3A_501] : memref<425984x32xf32, #tpu.memory_space<hbm>> -> memref<128x32xf32, #tpu.memory_space<hbm>>
        %dma_wait3A_503 = arith.constant 0 : i32
        %dma_wait3A_504 = tpu.memref_slice %arg4[%add3A_277, %dma_wait3A_503] : memref<425984x32xf32, #tpu.memory_space<hbm>> -> memref<128x32xf32, #tpu.memory_space<hbm>>
        %dma_wait3A_505 = arith.constant 0 : i32
        %dma_wait3A_506 = arith.constant 0 : i32
        %dma_wait3A_507 = tpu.memref_slice %arg6[%run_scoped3A_278, %dma_wait3A_505, %dma_wait3A_506] : memref<8x128x32xf32, #tpu.memory_space<vmem>> -> memref<1x128x32xf32, #tpu.memory_space<vmem>>
        %dma_wait3A_508 = tpu.memref_squeeze %dma_wait3A_507 : memref<1x128x32xf32, #tpu.memory_space<vmem>> -> memref<128x32xf32, #tpu.memory_space<vmem>>
        tpu.wait_dma2 semaphore(%run_scoped3A_484 : memref<!tpu.dma_semaphore, #tpu.memory_space<semaphore_mem>>) src(%dma_wait3A_508 : memref<128x32xf32, #tpu.memory_space<vmem>>) dst(%dma_wait3A_504 : memref<128x32xf32, #tpu.memory_space<hbm>>)
        tpu.yield
      }) : () -> ()
      %add3A_279 = arith.constant 8 : i32
      %add3A_280 = arith.addi %add3A_263, %add3A_279 : i32
      %dma_start3A_281 = arith.constant 1 : i32
      %dma_start3A_282 = arith.constant 0 : i32
      %dma_start3A_283 = arith.constant 0 : i32
      %dma_start3A_284 = tpu.memref_slice %arg6[%dma_start3A_281, %dma_start3A_282, %dma_start3A_283] : memref<8x128x32xf32, #tpu.memory_space<vmem>> -> memref<1x128x32xf32, #tpu.memory_space<vmem>>
      %dma_start3A_285 = tpu.memref_squeeze %dma_start3A_284 : memref<1x128x32xf32, #tpu.memory_space<vmem>> -> memref<128x32xf32, #tpu.memory_space<vmem>>
      %dma_start3A_286 = arith.constant 0 : i32
      %dma_start3A_287 = tpu.memref_slice %arg5[%add3A_280, %dma_start3A_286] : memref<104x128xi32, #tpu.memory_space<vmem>> -> memref<1x128xi32, #tpu.memory_space<vmem>>
      %dma_start3A_288 = tpu.memref_squeeze %dma_start3A_287 : memref<1x128xi32, #tpu.memory_space<vmem>> -> memref<128xi32, #tpu.memory_space<vmem>>
      %dma_start3A_289 = arith.constant 0 : i32
      %dma_start3A_290 = arith.constant 0 : i32
      %dma_start3A_291 = tpu.memref_slice %arg3[%dma_start3A_289, %dma_start3A_290] : memref<1000000x32xf32, #tpu.memory_space<hbm>> -> memref<1000000x32xf32, #tpu.memory_space<hbm>>
      tpu.enqueue_indirect_dma source(%dma_start3A_291 : memref<1000000x32xf32, #tpu.memory_space<hbm>>) target(%dma_start3A_285 : memref<128x32xf32, #tpu.memory_space<vmem>>) offsets(%dma_start3A_288 : memref<128xi32, #tpu.memory_space<vmem>>) semaphore(%arg8 : memref<!tpu.dma_semaphore, #tpu.memory_space<semaphore_mem>>)
      %mul3A_292 = arith.constant 8 : i32
      %mul3A_293 = arith.muli %scan3A_227, %mul3A_292 : i32
      %add3A_294 = arith.constant 2 : i32
      %add3A_295 = arith.addi %mul3A_293, %add3A_294 : i32
      %dma_wait3A_296 = arith.constant 2 : i32
      %dma_wait3A_297 = arith.constant 0 : i32
      %dma_wait3A_298 = arith.constant 0 : i32
      %dma_wait3A_299 = tpu.memref_slice %arg6[%dma_wait3A_296, %dma_wait3A_297, %dma_wait3A_298] : memref<8x128x32xf32, #tpu.memory_space<vmem>> -> memref<1x128x32xf32, #tpu.memory_space<vmem>>
      %dma_wait3A_300 = tpu.memref_squeeze %dma_wait3A_299 : memref<1x128x32xf32, #tpu.memory_space<vmem>> -> memref<128x32xf32, #tpu.memory_space<vmem>>
      %dma_wait3A_301 = arith.constant 0 : i32
      %dma_wait3A_302 = tpu.memref_slice %arg5[%add3A_295, %dma_wait3A_301] : memref<104x128xi32, #tpu.memory_space<vmem>> -> memref<1x128xi32, #tpu.memory_space<vmem>>
      %dma_wait3A_303 = tpu.memref_squeeze %dma_wait3A_302 : memref<1x128xi32, #tpu.memory_space<vmem>> -> memref<128xi32, #tpu.memory_space<vmem>>
      %dma_wait3A_304 = arith.constant 0 : i32
      %dma_wait3A_305 = arith.constant 0 : i32
      %dma_wait3A_306 = tpu.memref_slice %arg3[%dma_wait3A_304, %dma_wait3A_305] : memref<1000000x32xf32, #tpu.memory_space<hbm>> -> memref<1000000x32xf32, #tpu.memory_space<hbm>>
      tpu.wait_indirect_dma semaphore(%arg9 : memref<!tpu.dma_semaphore, #tpu.memory_space<semaphore_mem>>) src(%dma_wait3A_306 : memref<1000000x32xf32, #tpu.memory_space<hbm>>) dst(%dma_wait3A_300 : memref<128x32xf32, #tpu.memory_space<vmem>>)
      %mul3A_307 = arith.constant 128 : i32
      %mul3A_308 = arith.muli %add3A_295, %mul3A_307 : i32
      %add3A_309 = arith.addi %mul3A_2, %mul3A_308 : i32
      %run_scoped3A_310 = arith.constant 2 : i32
      "tpu.region"() ({
        %run_scoped3A_484 = tpu.sem_alloc : memref<!tpu.dma_semaphore, #tpu.memory_space<semaphore_mem>>
        %dma_start3A_485 = arith.constant 0 : i32
        %dma_start3A_486 = arith.constant 0 : i32
        %dma_start3A_487 = tpu.memref_slice %arg6[%run_scoped3A_310, %dma_start3A_485, %dma_start3A_486] : memref<8x128x32xf32, #tpu.memory_space<vmem>> -> memref<1x128x32xf32, #tpu.memory_space<vmem>>
        %dma_start3A_488 = tpu.memref_squeeze %dma_start3A_487 : memref<1x128x32xf32, #tpu.memory_space<vmem>> -> memref<128x32xf32, #tpu.memory_space<vmem>>
        %dma_start3A_489 = arith.constant 0 : i32
        %dma_start3A_490 = tpu.memref_slice %arg4[%add3A_309, %dma_start3A_489] : memref<425984x32xf32, #tpu.memory_space<hbm>> -> memref<128x32xf32, #tpu.memory_space<hbm>>
        %dma_start3A_491 = arith.constant 0 : i32
        %dma_start3A_492 = tpu.memref_slice %arg4[%add3A_309, %dma_start3A_491] : memref<425984x32xf32, #tpu.memory_space<hbm>> -> memref<128x32xf32, #tpu.memory_space<hbm>>
        %dma_start3A_493 = arith.constant 0 : i32
        %dma_start3A_494 = arith.constant 0 : i32
        %dma_start3A_495 = tpu.memref_slice %arg6[%run_scoped3A_310, %dma_start3A_493, %dma_start3A_494] : memref<8x128x32xf32, #tpu.memory_space<vmem>> -> memref<1x128x32xf32, #tpu.memory_space<vmem>>
        %dma_start3A_496 = tpu.memref_squeeze %dma_start3A_495 : memref<1x128x32xf32, #tpu.memory_space<vmem>> -> memref<128x32xf32, #tpu.memory_space<vmem>>
        tpu.enqueue_dma source(%dma_start3A_496 : memref<128x32xf32, #tpu.memory_space<vmem>>) target(%dma_start3A_492 : memref<128x32xf32, #tpu.memory_space<hbm>>) target_semaphore(%run_scoped3A_484 : memref<!tpu.dma_semaphore, #tpu.memory_space<semaphore_mem>>)
        %dma_wait3A_497 = arith.constant 0 : i32
        %dma_wait3A_498 = arith.constant 0 : i32
        %dma_wait3A_499 = tpu.memref_slice %arg6[%run_scoped3A_310, %dma_wait3A_497, %dma_wait3A_498] : memref<8x128x32xf32, #tpu.memory_space<vmem>> -> memref<1x128x32xf32, #tpu.memory_space<vmem>>
        %dma_wait3A_500 = tpu.memref_squeeze %dma_wait3A_499 : memref<1x128x32xf32, #tpu.memory_space<vmem>> -> memref<128x32xf32, #tpu.memory_space<vmem>>
        %dma_wait3A_501 = arith.constant 0 : i32
        %dma_wait3A_502 = tpu.memref_slice %arg4[%add3A_309, %dma_wait3A_501] : memref<425984x32xf32, #tpu.memory_space<hbm>> -> memref<128x32xf32, #tpu.memory_space<hbm>>
        %dma_wait3A_503 = arith.constant 0 : i32
        %dma_wait3A_504 = tpu.memref_slice %arg4[%add3A_309, %dma_wait3A_503] : memref<425984x32xf32, #tpu.memory_space<hbm>> -> memref<128x32xf32, #tpu.memory_space<hbm>>
        %dma_wait3A_505 = arith.constant 0 : i32
        %dma_wait3A_506 = arith.constant 0 : i32
        %dma_wait3A_507 = tpu.memref_slice %arg6[%run_scoped3A_310, %dma_wait3A_505, %dma_wait3A_506] : memref<8x128x32xf32, #tpu.memory_space<vmem>> -> memref<1x128x32xf32, #tpu.memory_space<vmem>>
        %dma_wait3A_508 = tpu.memref_squeeze %dma_wait3A_507 : memref<1x128x32xf32, #tpu.memory_space<vmem>> -> memref<128x32xf32, #tpu.memory_space<vmem>>
        tpu.wait_dma2 semaphore(%run_scoped3A_484 : memref<!tpu.dma_semaphore, #tpu.memory_space<semaphore_mem>>) src(%dma_wait3A_508 : memref<128x32xf32, #tpu.memory_space<vmem>>) dst(%dma_wait3A_504 : memref<128x32xf32, #tpu.memory_space<hbm>>)
        tpu.yield
      }) : () -> ()
      %add3A_311 = arith.constant 8 : i32
      %add3A_312 = arith.addi %add3A_295, %add3A_311 : i32
      %dma_start3A_313 = arith.constant 2 : i32
      %dma_start3A_314 = arith.constant 0 : i32
      %dma_start3A_315 = arith.constant 0 : i32
      %dma_start3A_316 = tpu.memref_slice %arg6[%dma_start3A_313, %dma_start3A_314, %dma_start3A_315] : memref<8x128x32xf32, #tpu.memory_space<vmem>> -> memref<1x128x32xf32, #tpu.memory_space<vmem>>
      %dma_start3A_317 = tpu.memref_squeeze %dma_start3A_316 : memref<1x128x32xf32, #tpu.memory_space<vmem>> -> memref<128x32xf32, #tpu.memory_space<vmem>>
      %dma_start3A_318 = arith.constant 0 : i32
      %dma_start3A_319 = tpu.memref_slice %arg5[%add3A_312, %dma_start3A_318] : memref<104x128xi32, #tpu.memory_space<vmem>> -> memref<1x128xi32, #tpu.memory_space<vmem>>
      %dma_start3A_320 = tpu.memref_squeeze %dma_start3A_319 : memref<1x128xi32, #tpu.memory_space<vmem>> -> memref<128xi32, #tpu.memory_space<vmem>>
      %dma_start3A_321 = arith.constant 0 : i32
      %dma_start3A_322 = arith.constant 0 : i32
      %dma_start3A_323 = tpu.memref_slice %arg3[%dma_start3A_321, %dma_start3A_322] : memref<1000000x32xf32, #tpu.memory_space<hbm>> -> memref<1000000x32xf32, #tpu.memory_space<hbm>>
      tpu.enqueue_indirect_dma source(%dma_start3A_323 : memref<1000000x32xf32, #tpu.memory_space<hbm>>) target(%dma_start3A_317 : memref<128x32xf32, #tpu.memory_space<vmem>>) offsets(%dma_start3A_320 : memref<128xi32, #tpu.memory_space<vmem>>) semaphore(%arg9 : memref<!tpu.dma_semaphore, #tpu.memory_space<semaphore_mem>>)
      %mul3A_324 = arith.constant 8 : i32
      %mul3A_325 = arith.muli %scan3A_227, %mul3A_324 : i32
      %add3A_326 = arith.constant 3 : i32
      %add3A_327 = arith.addi %mul3A_325, %add3A_326 : i32
      %dma_wait3A_328 = arith.constant 3 : i32
      %dma_wait3A_329 = arith.constant 0 : i32
      %dma_wait3A_330 = arith.constant 0 : i32
      %dma_wait3A_331 = tpu.memref_slice %arg6[%dma_wait3A_328, %dma_wait3A_329, %dma_wait3A_330] : memref<8x128x32xf32, #tpu.memory_space<vmem>> -> memref<1x128x32xf32, #tpu.memory_space<vmem>>
      %dma_wait3A_332 = tpu.memref_squeeze %dma_wait3A_331 : memref<1x128x32xf32, #tpu.memory_space<vmem>> -> memref<128x32xf32, #tpu.memory_space<vmem>>
      %dma_wait3A_333 = arith.constant 0 : i32
      %dma_wait3A_334 = tpu.memref_slice %arg5[%add3A_327, %dma_wait3A_333] : memref<104x128xi32, #tpu.memory_space<vmem>> -> memref<1x128xi32, #tpu.memory_space<vmem>>
      %dma_wait3A_335 = tpu.memref_squeeze %dma_wait3A_334 : memref<1x128xi32, #tpu.memory_space<vmem>> -> memref<128xi32, #tpu.memory_space<vmem>>
      %dma_wait3A_336 = arith.constant 0 : i32
      %dma_wait3A_337 = arith.constant 0 : i32
      %dma_wait3A_338 = tpu.memref_slice %arg3[%dma_wait3A_336, %dma_wait3A_337] : memref<1000000x32xf32, #tpu.memory_space<hbm>> -> memref<1000000x32xf32, #tpu.memory_space<hbm>>
      tpu.wait_indirect_dma semaphore(%arg10 : memref<!tpu.dma_semaphore, #tpu.memory_space<semaphore_mem>>) src(%dma_wait3A_338 : memref<1000000x32xf32, #tpu.memory_space<hbm>>) dst(%dma_wait3A_332 : memref<128x32xf32, #tpu.memory_space<vmem>>)
      %mul3A_339 = arith.constant 128 : i32
      %mul3A_340 = arith.muli %add3A_327, %mul3A_339 : i32
      %add3A_341 = arith.addi %mul3A_2, %mul3A_340 : i32
      %run_scoped3A_342 = arith.constant 3 : i32
      "tpu.region"() ({
        %run_scoped3A_484 = tpu.sem_alloc : memref<!tpu.dma_semaphore, #tpu.memory_space<semaphore_mem>>
        %dma_start3A_485 = arith.constant 0 : i32
        %dma_start3A_486 = arith.constant 0 : i32
        %dma_start3A_487 = tpu.memref_slice %arg6[%run_scoped3A_342, %dma_start3A_485, %dma_start3A_486] : memref<8x128x32xf32, #tpu.memory_space<vmem>> -> memref<1x128x32xf32, #tpu.memory_space<vmem>>
        %dma_start3A_488 = tpu.memref_squeeze %dma_start3A_487 : memref<1x128x32xf32, #tpu.memory_space<vmem>> -> memref<128x32xf32, #tpu.memory_space<vmem>>
        %dma_start3A_489 = arith.constant 0 : i32
        %dma_start3A_490 = tpu.memref_slice %arg4[%add3A_341, %dma_start3A_489] : memref<425984x32xf32, #tpu.memory_space<hbm>> -> memref<128x32xf32, #tpu.memory_space<hbm>>
        %dma_start3A_491 = arith.constant 0 : i32
        %dma_start3A_492 = tpu.memref_slice %arg4[%add3A_341, %dma_start3A_491] : memref<425984x32xf32, #tpu.memory_space<hbm>> -> memref<128x32xf32, #tpu.memory_space<hbm>>
        %dma_start3A_493 = arith.constant 0 : i32
        %dma_start3A_494 = arith.constant 0 : i32
        %dma_start3A_495 = tpu.memref_slice %arg6[%run_scoped3A_342, %dma_start3A_493, %dma_start3A_494] : memref<8x128x32xf32, #tpu.memory_space<vmem>> -> memref<1x128x32xf32, #tpu.memory_space<vmem>>
        %dma_start3A_496 = tpu.memref_squeeze %dma_start3A_495 : memref<1x128x32xf32, #tpu.memory_space<vmem>> -> memref<128x32xf32, #tpu.memory_space<vmem>>
        tpu.enqueue_dma source(%dma_start3A_496 : memref<128x32xf32, #tpu.memory_space<vmem>>) target(%dma_start3A_492 : memref<128x32xf32, #tpu.memory_space<hbm>>) target_semaphore(%run_scoped3A_484 : memref<!tpu.dma_semaphore, #tpu.memory_space<semaphore_mem>>)
        %dma_wait3A_497 = arith.constant 0 : i32
        %dma_wait3A_498 = arith.constant 0 : i32
        %dma_wait3A_499 = tpu.memref_slice %arg6[%run_scoped3A_342, %dma_wait3A_497, %dma_wait3A_498] : memref<8x128x32xf32, #tpu.memory_space<vmem>> -> memref<1x128x32xf32, #tpu.memory_space<vmem>>
        %dma_wait3A_500 = tpu.memref_squeeze %dma_wait3A_499 : memref<1x128x32xf32, #tpu.memory_space<vmem>> -> memref<128x32xf32, #tpu.memory_space<vmem>>
        %dma_wait3A_501 = arith.constant 0 : i32
        %dma_wait3A_502 = tpu.memref_slice %arg4[%add3A_341, %dma_wait3A_501] : memref<425984x32xf32, #tpu.memory_space<hbm>> -> memref<128x32xf32, #tpu.memory_space<hbm>>
        %dma_wait3A_503 = arith.constant 0 : i32
        %dma_wait3A_504 = tpu.memref_slice %arg4[%add3A_341, %dma_wait3A_503] : memref<425984x32xf32, #tpu.memory_space<hbm>> -> memref<128x32xf32, #tpu.memory_space<hbm>>
        %dma_wait3A_505 = arith.constant 0 : i32
        %dma_wait3A_506 = arith.constant 0 : i32
        %dma_wait3A_507 = tpu.memref_slice %arg6[%run_scoped3A_342, %dma_wait3A_505, %dma_wait3A_506] : memref<8x128x32xf32, #tpu.memory_space<vmem>> -> memref<1x128x32xf32, #tpu.memory_space<vmem>>
        %dma_wait3A_508 = tpu.memref_squeeze %dma_wait3A_507 : memref<1x128x32xf32, #tpu.memory_space<vmem>> -> memref<128x32xf32, #tpu.memory_space<vmem>>
        tpu.wait_dma2 semaphore(%run_scoped3A_484 : memref<!tpu.dma_semaphore, #tpu.memory_space<semaphore_mem>>) src(%dma_wait3A_508 : memref<128x32xf32, #tpu.memory_space<vmem>>) dst(%dma_wait3A_504 : memref<128x32xf32, #tpu.memory_space<hbm>>)
        tpu.yield
      }) : () -> ()
      %add3A_343 = arith.constant 8 : i32
      %add3A_344 = arith.addi %add3A_327, %add3A_343 : i32
      %dma_start3A_345 = arith.constant 3 : i32
      %dma_start3A_346 = arith.constant 0 : i32
      %dma_start3A_347 = arith.constant 0 : i32
      %dma_start3A_348 = tpu.memref_slice %arg6[%dma_start3A_345, %dma_start3A_346, %dma_start3A_347] : memref<8x128x32xf32, #tpu.memory_space<vmem>> -> memref<1x128x32xf32, #tpu.memory_space<vmem>>
      %dma_start3A_349 = tpu.memref_squeeze %dma_start3A_348 : memref<1x128x32xf32, #tpu.memory_space<vmem>> -> memref<128x32xf32, #tpu.memory_space<vmem>>
      %dma_start3A_350 = arith.constant 0 : i32
      %dma_start3A_351 = tpu.memref_slice %arg5[%add3A_344, %dma_start3A_350] : memref<104x128xi32, #tpu.memory_space<vmem>> -> memref<1x128xi32, #tpu.memory_space<vmem>>
      %dma_start3A_352 = tpu.memref_squeeze %dma_start3A_351 : memref<1x128xi32, #tpu.memory_space<vmem>> -> memref<128xi32, #tpu.memory_space<vmem>>
      %dma_start3A_353 = arith.constant 0 : i32
      %dma_start3A_354 = arith.constant 0 : i32
      %dma_start3A_355 = tpu.memref_slice %arg3[%dma_start3A_353, %dma_start3A_354] : memref<1000000x32xf32, #tpu.memory_space<hbm>> -> memref<1000000x32xf32, #tpu.memory_space<hbm>>
      tpu.enqueue_indirect_dma source(%dma_start3A_355 : memref<1000000x32xf32, #tpu.memory_space<hbm>>) target(%dma_start3A_349 : memref<128x32xf32, #tpu.memory_space<vmem>>) offsets(%dma_start3A_352 : memref<128xi32, #tpu.memory_space<vmem>>) semaphore(%arg10 : memref<!tpu.dma_semaphore, #tpu.memory_space<semaphore_mem>>)
      %mul3A_356 = arith.constant 8 : i32
      %mul3A_357 = arith.muli %scan3A_227, %mul3A_356 : i32
      %add3A_358 = arith.constant 4 : i32
      %add3A_359 = arith.addi %mul3A_357, %add3A_358 : i32
      %dma_wait3A_360 = arith.constant 4 : i32
      %dma_wait3A_361 = arith.constant 0 : i32
      %dma_wait3A_362 = arith.constant 0 : i32
      %dma_wait3A_363 = tpu.memref_slice %arg6[%dma_wait3A_360, %dma_wait3A_361, %dma_wait3A_362] : memref<8x128x32xf32, #tpu.memory_space<vmem>> -> memref<1x128x32xf32, #tpu.memory_space<vmem>>
      %dma_wait3A_364 = tpu.memref_squeeze %dma_wait3A_363 : memref<1x128x32xf32, #tpu.memory_space<vmem>> -> memref<128x32xf32, #tpu.memory_space<vmem>>
      %dma_wait3A_365 = arith.constant 0 : i32
      %dma_wait3A_366 = tpu.memref_slice %arg5[%add3A_359, %dma_wait3A_365] : memref<104x128xi32, #tpu.memory_space<vmem>> -> memref<1x128xi32, #tpu.memory_space<vmem>>
      %dma_wait3A_367 = tpu.memref_squeeze %dma_wait3A_366 : memref<1x128xi32, #tpu.memory_space<vmem>> -> memref<128xi32, #tpu.memory_space<vmem>>
      %dma_wait3A_368 = arith.constant 0 : i32
      %dma_wait3A_369 = arith.constant 0 : i32
      %dma_wait3A_370 = tpu.memref_slice %arg3[%dma_wait3A_368, %dma_wait3A_369] : memref<1000000x32xf32, #tpu.memory_space<hbm>> -> memref<1000000x32xf32, #tpu.memory_space<hbm>>
      tpu.wait_indirect_dma semaphore(%arg11 : memref<!tpu.dma_semaphore, #tpu.memory_space<semaphore_mem>>) src(%dma_wait3A_370 : memref<1000000x32xf32, #tpu.memory_space<hbm>>) dst(%dma_wait3A_364 : memref<128x32xf32, #tpu.memory_space<vmem>>)
      %mul3A_371 = arith.constant 128 : i32
      %mul3A_372 = arith.muli %add3A_359, %mul3A_371 : i32
      %add3A_373 = arith.addi %mul3A_2, %mul3A_372 : i32
      %run_scoped3A_374 = arith.constant 4 : i32
      "tpu.region"() ({
        %run_scoped3A_484 = tpu.sem_alloc : memref<!tpu.dma_semaphore, #tpu.memory_space<semaphore_mem>>
        %dma_start3A_485 = arith.constant 0 : i32
        %dma_start3A_486 = arith.constant 0 : i32
        %dma_start3A_487 = tpu.memref_slice %arg6[%run_scoped3A_374, %dma_start3A_485, %dma_start3A_486] : memref<8x128x32xf32, #tpu.memory_space<vmem>> -> memref<1x128x32xf32, #tpu.memory_space<vmem>>
        %dma_start3A_488 = tpu.memref_squeeze %dma_start3A_487 : memref<1x128x32xf32, #tpu.memory_space<vmem>> -> memref<128x32xf32, #tpu.memory_space<vmem>>
        %dma_start3A_489 = arith.constant 0 : i32
        %dma_start3A_490 = tpu.memref_slice %arg4[%add3A_373, %dma_start3A_489] : memref<425984x32xf32, #tpu.memory_space<hbm>> -> memref<128x32xf32, #tpu.memory_space<hbm>>
        %dma_start3A_491 = arith.constant 0 : i32
        %dma_start3A_492 = tpu.memref_slice %arg4[%add3A_373, %dma_start3A_491] : memref<425984x32xf32, #tpu.memory_space<hbm>> -> memref<128x32xf32, #tpu.memory_space<hbm>>
        %dma_start3A_493 = arith.constant 0 : i32
        %dma_start3A_494 = arith.constant 0 : i32
        %dma_start3A_495 = tpu.memref_slice %arg6[%run_scoped3A_374, %dma_start3A_493, %dma_start3A_494] : memref<8x128x32xf32, #tpu.memory_space<vmem>> -> memref<1x128x32xf32, #tpu.memory_space<vmem>>
        %dma_start3A_496 = tpu.memref_squeeze %dma_start3A_495 : memref<1x128x32xf32, #tpu.memory_space<vmem>> -> memref<128x32xf32, #tpu.memory_space<vmem>>
        tpu.enqueue_dma source(%dma_start3A_496 : memref<128x32xf32, #tpu.memory_space<vmem>>) target(%dma_start3A_492 : memref<128x32xf32, #tpu.memory_space<hbm>>) target_semaphore(%run_scoped3A_484 : memref<!tpu.dma_semaphore, #tpu.memory_space<semaphore_mem>>)
        %dma_wait3A_497 = arith.constant 0 : i32
        %dma_wait3A_498 = arith.constant 0 : i32
        %dma_wait3A_499 = tpu.memref_slice %arg6[%run_scoped3A_374, %dma_wait3A_497, %dma_wait3A_498] : memref<8x128x32xf32, #tpu.memory_space<vmem>> -> memref<1x128x32xf32, #tpu.memory_space<vmem>>
        %dma_wait3A_500 = tpu.memref_squeeze %dma_wait3A_499 : memref<1x128x32xf32, #tpu.memory_space<vmem>> -> memref<128x32xf32, #tpu.memory_space<vmem>>
        %dma_wait3A_501 = arith.constant 0 : i32
        %dma_wait3A_502 = tpu.memref_slice %arg4[%add3A_373, %dma_wait3A_501] : memref<425984x32xf32, #tpu.memory_space<hbm>> -> memref<128x32xf32, #tpu.memory_space<hbm>>
        %dma_wait3A_503 = arith.constant 0 : i32
        %dma_wait3A_504 = tpu.memref_slice %arg4[%add3A_373, %dma_wait3A_503] : memref<425984x32xf32, #tpu.memory_space<hbm>> -> memref<128x32xf32, #tpu.memory_space<hbm>>
        %dma_wait3A_505 = arith.constant 0 : i32
        %dma_wait3A_506 = arith.constant 0 : i32
        %dma_wait3A_507 = tpu.memref_slice %arg6[%run_scoped3A_374, %dma_wait3A_505, %dma_wait3A_506] : memref<8x128x32xf32, #tpu.memory_space<vmem>> -> memref<1x128x32xf32, #tpu.memory_space<vmem>>
        %dma_wait3A_508 = tpu.memref_squeeze %dma_wait3A_507 : memref<1x128x32xf32, #tpu.memory_space<vmem>> -> memref<128x32xf32, #tpu.memory_space<vmem>>
        tpu.wait_dma2 semaphore(%run_scoped3A_484 : memref<!tpu.dma_semaphore, #tpu.memory_space<semaphore_mem>>) src(%dma_wait3A_508 : memref<128x32xf32, #tpu.memory_space<vmem>>) dst(%dma_wait3A_504 : memref<128x32xf32, #tpu.memory_space<hbm>>)
        tpu.yield
      }) : () -> ()
      %add3A_375 = arith.constant 8 : i32
      %add3A_376 = arith.addi %add3A_359, %add3A_375 : i32
      %dma_start3A_377 = arith.constant 4 : i32
      %dma_start3A_378 = arith.constant 0 : i32
      %dma_start3A_379 = arith.constant 0 : i32
      %dma_start3A_380 = tpu.memref_slice %arg6[%dma_start3A_377, %dma_start3A_378, %dma_start3A_379] : memref<8x128x32xf32, #tpu.memory_space<vmem>> -> memref<1x128x32xf32, #tpu.memory_space<vmem>>
      %dma_start3A_381 = tpu.memref_squeeze %dma_start3A_380 : memref<1x128x32xf32, #tpu.memory_space<vmem>> -> memref<128x32xf32, #tpu.memory_space<vmem>>
      %dma_start3A_382 = arith.constant 0 : i32
      %dma_start3A_383 = tpu.memref_slice %arg5[%add3A_376, %dma_start3A_382] : memref<104x128xi32, #tpu.memory_space<vmem>> -> memref<1x128xi32, #tpu.memory_space<vmem>>
      %dma_start3A_384 = tpu.memref_squeeze %dma_start3A_383 : memref<1x128xi32, #tpu.memory_space<vmem>> -> memref<128xi32, #tpu.memory_space<vmem>>
      %dma_start3A_385 = arith.constant 0 : i32
      %dma_start3A_386 = arith.constant 0 : i32
      %dma_start3A_387 = tpu.memref_slice %arg3[%dma_start3A_385, %dma_start3A_386] : memref<1000000x32xf32, #tpu.memory_space<hbm>> -> memref<1000000x32xf32, #tpu.memory_space<hbm>>
      tpu.enqueue_indirect_dma source(%dma_start3A_387 : memref<1000000x32xf32, #tpu.memory_space<hbm>>) target(%dma_start3A_381 : memref<128x32xf32, #tpu.memory_space<vmem>>) offsets(%dma_start3A_384 : memref<128xi32, #tpu.memory_space<vmem>>) semaphore(%arg11 : memref<!tpu.dma_semaphore, #tpu.memory_space<semaphore_mem>>)
      %mul3A_388 = arith.constant 8 : i32
      %mul3A_389 = arith.muli %scan3A_227, %mul3A_388 : i32
      %add3A_390 = arith.constant 5 : i32
      %add3A_391 = arith.addi %mul3A_389, %add3A_390 : i32
      %dma_wait3A_392 = arith.constant 5 : i32
      %dma_wait3A_393 = arith.constant 0 : i32
      %dma_wait3A_394 = arith.constant 0 : i32
      %dma_wait3A_395 = tpu.memref_slice %arg6[%dma_wait3A_392, %dma_wait3A_393, %dma_wait3A_394] : memref<8x128x32xf32, #tpu.memory_space<vmem>> -> memref<1x128x32xf32, #tpu.memory_space<vmem>>
      %dma_wait3A_396 = tpu.memref_squeeze %dma_wait3A_395 : memref<1x128x32xf32, #tpu.memory_space<vmem>> -> memref<128x32xf32, #tpu.memory_space<vmem>>
      %dma_wait3A_397 = arith.constant 0 : i32
      %dma_wait3A_398 = tpu.memref_slice %arg5[%add3A_391, %dma_wait3A_397] : memref<104x128xi32, #tpu.memory_space<vmem>> -> memref<1x128xi32, #tpu.memory_space<vmem>>
      %dma_wait3A_399 = tpu.memref_squeeze %dma_wait3A_398 : memref<1x128xi32, #tpu.memory_space<vmem>> -> memref<128xi32, #tpu.memory_space<vmem>>
      %dma_wait3A_400 = arith.constant 0 : i32
      %dma_wait3A_401 = arith.constant 0 : i32
      %dma_wait3A_402 = tpu.memref_slice %arg3[%dma_wait3A_400, %dma_wait3A_401] : memref<1000000x32xf32, #tpu.memory_space<hbm>> -> memref<1000000x32xf32, #tpu.memory_space<hbm>>
      tpu.wait_indirect_dma semaphore(%arg12 : memref<!tpu.dma_semaphore, #tpu.memory_space<semaphore_mem>>) src(%dma_wait3A_402 : memref<1000000x32xf32, #tpu.memory_space<hbm>>) dst(%dma_wait3A_396 : memref<128x32xf32, #tpu.memory_space<vmem>>)
      %mul3A_403 = arith.constant 128 : i32
      %mul3A_404 = arith.muli %add3A_391, %mul3A_403 : i32
      %add3A_405 = arith.addi %mul3A_2, %mul3A_404 : i32
      %run_scoped3A_406 = arith.constant 5 : i32
      "tpu.region"() ({
        %run_scoped3A_484 = tpu.sem_alloc : memref<!tpu.dma_semaphore, #tpu.memory_space<semaphore_mem>>
        %dma_start3A_485 = arith.constant 0 : i32
        %dma_start3A_486 = arith.constant 0 : i32
        %dma_start3A_487 = tpu.memref_slice %arg6[%run_scoped3A_406, %dma_start3A_485, %dma_start3A_486] : memref<8x128x32xf32, #tpu.memory_space<vmem>> -> memref<1x128x32xf32, #tpu.memory_space<vmem>>
        %dma_start3A_488 = tpu.memref_squeeze %dma_start3A_487 : memref<1x128x32xf32, #tpu.memory_space<vmem>> -> memref<128x32xf32, #tpu.memory_space<vmem>>
        %dma_start3A_489 = arith.constant 0 : i32
        %dma_start3A_490 = tpu.memref_slice %arg4[%add3A_405, %dma_start3A_489] : memref<425984x32xf32, #tpu.memory_space<hbm>> -> memref<128x32xf32, #tpu.memory_space<hbm>>
        %dma_start3A_491 = arith.constant 0 : i32
        %dma_start3A_492 = tpu.memref_slice %arg4[%add3A_405, %dma_start3A_491] : memref<425984x32xf32, #tpu.memory_space<hbm>> -> memref<128x32xf32, #tpu.memory_space<hbm>>
        %dma_start3A_493 = arith.constant 0 : i32
        %dma_start3A_494 = arith.constant 0 : i32
        %dma_start3A_495 = tpu.memref_slice %arg6[%run_scoped3A_406, %dma_start3A_493, %dma_start3A_494] : memref<8x128x32xf32, #tpu.memory_space<vmem>> -> memref<1x128x32xf32, #tpu.memory_space<vmem>>
        %dma_start3A_496 = tpu.memref_squeeze %dma_start3A_495 : memref<1x128x32xf32, #tpu.memory_space<vmem>> -> memref<128x32xf32, #tpu.memory_space<vmem>>
        tpu.enqueue_dma source(%dma_start3A_496 : memref<128x32xf32, #tpu.memory_space<vmem>>) target(%dma_start3A_492 : memref<128x32xf32, #tpu.memory_space<hbm>>) target_semaphore(%run_scoped3A_484 : memref<!tpu.dma_semaphore, #tpu.memory_space<semaphore_mem>>)
        %dma_wait3A_497 = arith.constant 0 : i32
        %dma_wait3A_498 = arith.constant 0 : i32
        %dma_wait3A_499 = tpu.memref_slice %arg6[%run_scoped3A_406, %dma_wait3A_497, %dma_wait3A_498] : memref<8x128x32xf32, #tpu.memory_space<vmem>> -> memref<1x128x32xf32, #tpu.memory_space<vmem>>
        %dma_wait3A_500 = tpu.memref_squeeze %dma_wait3A_499 : memref<1x128x32xf32, #tpu.memory_space<vmem>> -> memref<128x32xf32, #tpu.memory_space<vmem>>
        %dma_wait3A_501 = arith.constant 0 : i32
        %dma_wait3A_502 = tpu.memref_slice %arg4[%add3A_405, %dma_wait3A_501] : memref<425984x32xf32, #tpu.memory_space<hbm>> -> memref<128x32xf32, #tpu.memory_space<hbm>>
        %dma_wait3A_503 = arith.constant 0 : i32
        %dma_wait3A_504 = tpu.memref_slice %arg4[%add3A_405, %dma_wait3A_503] : memref<425984x32xf32, #tpu.memory_space<hbm>> -> memref<128x32xf32, #tpu.memory_space<hbm>>
        %dma_wait3A_505 = arith.constant 0 : i32
        %dma_wait3A_506 = arith.constant 0 : i32
        %dma_wait3A_507 = tpu.memref_slice %arg6[%run_scoped3A_406, %dma_wait3A_505, %dma_wait3A_506] : memref<8x128x32xf32, #tpu.memory_space<vmem>> -> memref<1x128x32xf32, #tpu.memory_space<vmem>>
        %dma_wait3A_508 = tpu.memref_squeeze %dma_wait3A_507 : memref<1x128x32xf32, #tpu.memory_space<vmem>> -> memref<128x32xf32, #tpu.memory_space<vmem>>
        tpu.wait_dma2 semaphore(%run_scoped3A_484 : memref<!tpu.dma_semaphore, #tpu.memory_space<semaphore_mem>>) src(%dma_wait3A_508 : memref<128x32xf32, #tpu.memory_space<vmem>>) dst(%dma_wait3A_504 : memref<128x32xf32, #tpu.memory_space<hbm>>)
        tpu.yield
      }) : () -> ()
      %add3A_407 = arith.constant 8 : i32
      %add3A_408 = arith.addi %add3A_391, %add3A_407 : i32
      %dma_start3A_409 = arith.constant 5 : i32
      %dma_start3A_410 = arith.constant 0 : i32
      %dma_start3A_411 = arith.constant 0 : i32
      %dma_start3A_412 = tpu.memref_slice %arg6[%dma_start3A_409, %dma_start3A_410, %dma_start3A_411] : memref<8x128x32xf32, #tpu.memory_space<vmem>> -> memref<1x128x32xf32, #tpu.memory_space<vmem>>
      %dma_start3A_413 = tpu.memref_squeeze %dma_start3A_412 : memref<1x128x32xf32, #tpu.memory_space<vmem>> -> memref<128x32xf32, #tpu.memory_space<vmem>>
      %dma_start3A_414 = arith.constant 0 : i32
      %dma_start3A_415 = tpu.memref_slice %arg5[%add3A_408, %dma_start3A_414] : memref<104x128xi32, #tpu.memory_space<vmem>> -> memref<1x128xi32, #tpu.memory_space<vmem>>
      %dma_start3A_416 = tpu.memref_squeeze %dma_start3A_415 : memref<1x128xi32, #tpu.memory_space<vmem>> -> memref<128xi32, #tpu.memory_space<vmem>>
      %dma_start3A_417 = arith.constant 0 : i32
      %dma_start3A_418 = arith.constant 0 : i32
      %dma_start3A_419 = tpu.memref_slice %arg3[%dma_start3A_417, %dma_start3A_418] : memref<1000000x32xf32, #tpu.memory_space<hbm>> -> memref<1000000x32xf32, #tpu.memory_space<hbm>>
      tpu.enqueue_indirect_dma source(%dma_start3A_419 : memref<1000000x32xf32, #tpu.memory_space<hbm>>) target(%dma_start3A_413 : memref<128x32xf32, #tpu.memory_space<vmem>>) offsets(%dma_start3A_416 : memref<128xi32, #tpu.memory_space<vmem>>) semaphore(%arg12 : memref<!tpu.dma_semaphore, #tpu.memory_space<semaphore_mem>>)
      %mul3A_420 = arith.constant 8 : i32
      %mul3A_421 = arith.muli %scan3A_227, %mul3A_420 : i32
      %add3A_422 = arith.constant 6 : i32
      %add3A_423 = arith.addi %mul3A_421, %add3A_422 : i32
      %dma_wait3A_424 = arith.constant 6 : i32
      %dma_wait3A_425 = arith.constant 0 : i32
      %dma_wait3A_426 = arith.constant 0 : i32
      %dma_wait3A_427 = tpu.memref_slice %arg6[%dma_wait3A_424, %dma_wait3A_425, %dma_wait3A_426] : memref<8x128x32xf32, #tpu.memory_space<vmem>> -> memref<1x128x32xf32, #tpu.memory_space<vmem>>
      %dma_wait3A_428 = tpu.memref_squeeze %dma_wait3A_427 : memref<1x128x32xf32, #tpu.memory_space<vmem>> -> memref<128x32xf32, #tpu.memory_space<vmem>>
      %dma_wait3A_429 = arith.constant 0 : i32
      %dma_wait3A_430 = tpu.memref_slice %arg5[%add3A_423, %dma_wait3A_429] : memref<104x128xi32, #tpu.memory_space<vmem>> -> memref<1x128xi32, #tpu.memory_space<vmem>>
      %dma_wait3A_431 = tpu.memref_squeeze %dma_wait3A_430 : memref<1x128xi32, #tpu.memory_space<vmem>> -> memref<128xi32, #tpu.memory_space<vmem>>
      %dma_wait3A_432 = arith.constant 0 : i32
      %dma_wait3A_433 = arith.constant 0 : i32
      %dma_wait3A_434 = tpu.memref_slice %arg3[%dma_wait3A_432, %dma_wait3A_433] : memref<1000000x32xf32, #tpu.memory_space<hbm>> -> memref<1000000x32xf32, #tpu.memory_space<hbm>>
      tpu.wait_indirect_dma semaphore(%arg13 : memref<!tpu.dma_semaphore, #tpu.memory_space<semaphore_mem>>) src(%dma_wait3A_434 : memref<1000000x32xf32, #tpu.memory_space<hbm>>) dst(%dma_wait3A_428 : memref<128x32xf32, #tpu.memory_space<vmem>>)
      %mul3A_435 = arith.constant 128 : i32
      %mul3A_436 = arith.muli %add3A_423, %mul3A_435 : i32
      %add3A_437 = arith.addi %mul3A_2, %mul3A_436 : i32
      %run_scoped3A_438 = arith.constant 6 : i32
      "tpu.region"() ({
        %run_scoped3A_484 = tpu.sem_alloc : memref<!tpu.dma_semaphore, #tpu.memory_space<semaphore_mem>>
        %dma_start3A_485 = arith.constant 0 : i32
        %dma_start3A_486 = arith.constant 0 : i32
        %dma_start3A_487 = tpu.memref_slice %arg6[%run_scoped3A_438, %dma_start3A_485, %dma_start3A_486] : memref<8x128x32xf32, #tpu.memory_space<vmem>> -> memref<1x128x32xf32, #tpu.memory_space<vmem>>
        %dma_start3A_488 = tpu.memref_squeeze %dma_start3A_487 : memref<1x128x32xf32, #tpu.memory_space<vmem>> -> memref<128x32xf32, #tpu.memory_space<vmem>>
        %dma_start3A_489 = arith.constant 0 : i32
        %dma_start3A_490 = tpu.memref_slice %arg4[%add3A_437, %dma_start3A_489] : memref<425984x32xf32, #tpu.memory_space<hbm>> -> memref<128x32xf32, #tpu.memory_space<hbm>>
        %dma_start3A_491 = arith.constant 0 : i32
        %dma_start3A_492 = tpu.memref_slice %arg4[%add3A_437, %dma_start3A_491] : memref<425984x32xf32, #tpu.memory_space<hbm>> -> memref<128x32xf32, #tpu.memory_space<hbm>>
        %dma_start3A_493 = arith.constant 0 : i32
        %dma_start3A_494 = arith.constant 0 : i32
        %dma_start3A_495 = tpu.memref_slice %arg6[%run_scoped3A_438, %dma_start3A_493, %dma_start3A_494] : memref<8x128x32xf32, #tpu.memory_space<vmem>> -> memref<1x128x32xf32, #tpu.memory_space<vmem>>
        %dma_start3A_496 = tpu.memref_squeeze %dma_start3A_495 : memref<1x128x32xf32, #tpu.memory_space<vmem>> -> memref<128x32xf32, #tpu.memory_space<vmem>>
        tpu.enqueue_dma source(%dma_start3A_496 : memref<128x32xf32, #tpu.memory_space<vmem>>) target(%dma_start3A_492 : memref<128x32xf32, #tpu.memory_space<hbm>>) target_semaphore(%run_scoped3A_484 : memref<!tpu.dma_semaphore, #tpu.memory_space<semaphore_mem>>)
        %dma_wait3A_497 = arith.constant 0 : i32
        %dma_wait3A_498 = arith.constant 0 : i32
        %dma_wait3A_499 = tpu.memref_slice %arg6[%run_scoped3A_438, %dma_wait3A_497, %dma_wait3A_498] : memref<8x128x32xf32, #tpu.memory_space<vmem>> -> memref<1x128x32xf32, #tpu.memory_space<vmem>>
        %dma_wait3A_500 = tpu.memref_squeeze %dma_wait3A_499 : memref<1x128x32xf32, #tpu.memory_space<vmem>> -> memref<128x32xf32, #tpu.memory_space<vmem>>
        %dma_wait3A_501 = arith.constant 0 : i32
        %dma_wait3A_502 = tpu.memref_slice %arg4[%add3A_437, %dma_wait3A_501] : memref<425984x32xf32, #tpu.memory_space<hbm>> -> memref<128x32xf32, #tpu.memory_space<hbm>>
        %dma_wait3A_503 = arith.constant 0 : i32
        %dma_wait3A_504 = tpu.memref_slice %arg4[%add3A_437, %dma_wait3A_503] : memref<425984x32xf32, #tpu.memory_space<hbm>> -> memref<128x32xf32, #tpu.memory_space<hbm>>
        %dma_wait3A_505 = arith.constant 0 : i32
        %dma_wait3A_506 = arith.constant 0 : i32
        %dma_wait3A_507 = tpu.memref_slice %arg6[%run_scoped3A_438, %dma_wait3A_505, %dma_wait3A_506] : memref<8x128x32xf32, #tpu.memory_space<vmem>> -> memref<1x128x32xf32, #tpu.memory_space<vmem>>
        %dma_wait3A_508 = tpu.memref_squeeze %dma_wait3A_507 : memref<1x128x32xf32, #tpu.memory_space<vmem>> -> memref<128x32xf32, #tpu.memory_space<vmem>>
        tpu.wait_dma2 semaphore(%run_scoped3A_484 : memref<!tpu.dma_semaphore, #tpu.memory_space<semaphore_mem>>) src(%dma_wait3A_508 : memref<128x32xf32, #tpu.memory_space<vmem>>) dst(%dma_wait3A_504 : memref<128x32xf32, #tpu.memory_space<hbm>>)
        tpu.yield
      }) : () -> ()
      %add3A_439 = arith.constant 8 : i32
      %add3A_440 = arith.addi %add3A_423, %add3A_439 : i32
      %dma_start3A_441 = arith.constant 6 : i32
      %dma_start3A_442 = arith.constant 0 : i32
      %dma_start3A_443 = arith.constant 0 : i32
      %dma_start3A_444 = tpu.memref_slice %arg6[%dma_start3A_441, %dma_start3A_442, %dma_start3A_443] : memref<8x128x32xf32, #tpu.memory_space<vmem>> -> memref<1x128x32xf32, #tpu.memory_space<vmem>>
      %dma_start3A_445 = tpu.memref_squeeze %dma_start3A_444 : memref<1x128x32xf32, #tpu.memory_space<vmem>> -> memref<128x32xf32, #tpu.memory_space<vmem>>
      %dma_start3A_446 = arith.constant 0 : i32
      %dma_start3A_447 = tpu.memref_slice %arg5[%add3A_440, %dma_start3A_446] : memref<104x128xi32, #tpu.memory_space<vmem>> -> memref<1x128xi32, #tpu.memory_space<vmem>>
      %dma_start3A_448 = tpu.memref_squeeze %dma_start3A_447 : memref<1x128xi32, #tpu.memory_space<vmem>> -> memref<128xi32, #tpu.memory_space<vmem>>
      %dma_start3A_449 = arith.constant 0 : i32
      %dma_start3A_450 = arith.constant 0 : i32
      %dma_start3A_451 = tpu.memref_slice %arg3[%dma_start3A_449, %dma_start3A_450] : memref<1000000x32xf32, #tpu.memory_space<hbm>> -> memref<1000000x32xf32, #tpu.memory_space<hbm>>
      tpu.enqueue_indirect_dma source(%dma_start3A_451 : memref<1000000x32xf32, #tpu.memory_space<hbm>>) target(%dma_start3A_445 : memref<128x32xf32, #tpu.memory_space<vmem>>) offsets(%dma_start3A_448 : memref<128xi32, #tpu.memory_space<vmem>>) semaphore(%arg13 : memref<!tpu.dma_semaphore, #tpu.memory_space<semaphore_mem>>)
      %mul3A_452 = arith.constant 8 : i32
      %mul3A_453 = arith.muli %scan3A_227, %mul3A_452 : i32
      %add3A_454 = arith.constant 7 : i32
      %add3A_455 = arith.addi %mul3A_453, %add3A_454 : i32
      %dma_wait3A_456 = arith.constant 7 : i32
      %dma_wait3A_457 = arith.constant 0 : i32
      %dma_wait3A_458 = arith.constant 0 : i32
      %dma_wait3A_459 = tpu.memref_slice %arg6[%dma_wait3A_456, %dma_wait3A_457, %dma_wait3A_458] : memref<8x128x32xf32, #tpu.memory_space<vmem>> -> memref<1x128x32xf32, #tpu.memory_space<vmem>>
      %dma_wait3A_460 = tpu.memref_squeeze %dma_wait3A_459 : memref<1x128x32xf32, #tpu.memory_space<vmem>> -> memref<128x32xf32, #tpu.memory_space<vmem>>
      %dma_wait3A_461 = arith.constant 0 : i32
      %dma_wait3A_462 = tpu.memref_slice %arg5[%add3A_455, %dma_wait3A_461] : memref<104x128xi32, #tpu.memory_space<vmem>> -> memref<1x128xi32, #tpu.memory_space<vmem>>
      %dma_wait3A_463 = tpu.memref_squeeze %dma_wait3A_462 : memref<1x128xi32, #tpu.memory_space<vmem>> -> memref<128xi32, #tpu.memory_space<vmem>>
      %dma_wait3A_464 = arith.constant 0 : i32
      %dma_wait3A_465 = arith.constant 0 : i32
      %dma_wait3A_466 = tpu.memref_slice %arg3[%dma_wait3A_464, %dma_wait3A_465] : memref<1000000x32xf32, #tpu.memory_space<hbm>> -> memref<1000000x32xf32, #tpu.memory_space<hbm>>
      tpu.wait_indirect_dma semaphore(%arg14 : memref<!tpu.dma_semaphore, #tpu.memory_space<semaphore_mem>>) src(%dma_wait3A_466 : memref<1000000x32xf32, #tpu.memory_space<hbm>>) dst(%dma_wait3A_460 : memref<128x32xf32, #tpu.memory_space<vmem>>)
      %mul3A_467 = arith.constant 128 : i32
      %mul3A_468 = arith.muli %add3A_455, %mul3A_467 : i32
      %add3A_469 = arith.addi %mul3A_2, %mul3A_468 : i32
      %run_scoped3A_470 = arith.constant 7 : i32
      "tpu.region"() ({
        %run_scoped3A_484 = tpu.sem_alloc : memref<!tpu.dma_semaphore, #tpu.memory_space<semaphore_mem>>
        %dma_start3A_485 = arith.constant 0 : i32
        %dma_start3A_486 = arith.constant 0 : i32
        %dma_start3A_487 = tpu.memref_slice %arg6[%run_scoped3A_470, %dma_start3A_485, %dma_start3A_486] : memref<8x128x32xf32, #tpu.memory_space<vmem>> -> memref<1x128x32xf32, #tpu.memory_space<vmem>>
        %dma_start3A_488 = tpu.memref_squeeze %dma_start3A_487 : memref<1x128x32xf32, #tpu.memory_space<vmem>> -> memref<128x32xf32, #tpu.memory_space<vmem>>
        %dma_start3A_489 = arith.constant 0 : i32
        %dma_start3A_490 = tpu.memref_slice %arg4[%add3A_469, %dma_start3A_489] : memref<425984x32xf32, #tpu.memory_space<hbm>> -> memref<128x32xf32, #tpu.memory_space<hbm>>
        %dma_start3A_491 = arith.constant 0 : i32
        %dma_start3A_492 = tpu.memref_slice %arg4[%add3A_469, %dma_start3A_491] : memref<425984x32xf32, #tpu.memory_space<hbm>> -> memref<128x32xf32, #tpu.memory_space<hbm>>
        %dma_start3A_493 = arith.constant 0 : i32
        %dma_start3A_494 = arith.constant 0 : i32
        %dma_start3A_495 = tpu.memref_slice %arg6[%run_scoped3A_470, %dma_start3A_493, %dma_start3A_494] : memref<8x128x32xf32, #tpu.memory_space<vmem>> -> memref<1x128x32xf32, #tpu.memory_space<vmem>>
        %dma_start3A_496 = tpu.memref_squeeze %dma_start3A_495 : memref<1x128x32xf32, #tpu.memory_space<vmem>> -> memref<128x32xf32, #tpu.memory_space<vmem>>
        tpu.enqueue_dma source(%dma_start3A_496 : memref<128x32xf32, #tpu.memory_space<vmem>>) target(%dma_start3A_492 : memref<128x32xf32, #tpu.memory_space<hbm>>) target_semaphore(%run_scoped3A_484 : memref<!tpu.dma_semaphore, #tpu.memory_space<semaphore_mem>>)
        %dma_wait3A_497 = arith.constant 0 : i32
        %dma_wait3A_498 = arith.constant 0 : i32
        %dma_wait3A_499 = tpu.memref_slice %arg6[%run_scoped3A_470, %dma_wait3A_497, %dma_wait3A_498] : memref<8x128x32xf32, #tpu.memory_space<vmem>> -> memref<1x128x32xf32, #tpu.memory_space<vmem>>
        %dma_wait3A_500 = tpu.memref_squeeze %dma_wait3A_499 : memref<1x128x32xf32, #tpu.memory_space<vmem>> -> memref<128x32xf32, #tpu.memory_space<vmem>>
        %dma_wait3A_501 = arith.constant 0 : i32
        %dma_wait3A_502 = tpu.memref_slice %arg4[%add3A_469, %dma_wait3A_501] : memref<425984x32xf32, #tpu.memory_space<hbm>> -> memref<128x32xf32, #tpu.memory_space<hbm>>
        %dma_wait3A_503 = arith.constant 0 : i32
        %dma_wait3A_504 = tpu.memref_slice %arg4[%add3A_469, %dma_wait3A_503] : memref<425984x32xf32, #tpu.memory_space<hbm>> -> memref<128x32xf32, #tpu.memory_space<hbm>>
        %dma_wait3A_505 = arith.constant 0 : i32
        %dma_wait3A_506 = arith.constant 0 : i32
        %dma_wait3A_507 = tpu.memref_slice %arg6[%run_scoped3A_470, %dma_wait3A_505, %dma_wait3A_506] : memref<8x128x32xf32, #tpu.memory_space<vmem>> -> memref<1x128x32xf32, #tpu.memory_space<vmem>>
        %dma_wait3A_508 = tpu.memref_squeeze %dma_wait3A_507 : memref<1x128x32xf32, #tpu.memory_space<vmem>> -> memref<128x32xf32, #tpu.memory_space<vmem>>
        tpu.wait_dma2 semaphore(%run_scoped3A_484 : memref<!tpu.dma_semaphore, #tpu.memory_space<semaphore_mem>>) src(%dma_wait3A_508 : memref<128x32xf32, #tpu.memory_space<vmem>>) dst(%dma_wait3A_504 : memref<128x32xf32, #tpu.memory_space<hbm>>)
        tpu.yield
      }) : () -> ()
      %add3A_471 = arith.constant 8 : i32
      %add3A_472 = arith.addi %add3A_455, %add3A_471 : i32
      %dma_start3A_473 = arith.constant 7 : i32
      %dma_start3A_474 = arith.constant 0 : i32
      %dma_start3A_475 = arith.constant 0 : i32
      %dma_start3A_476 = tpu.memref_slice %arg6[%dma_start3A_473, %dma_start3A_474, %dma_start3A_475] : memref<8x128x32xf32, #tpu.memory_space<vmem>> -> memref<1x128x32xf32, #tpu.memory_space<vmem>>
      %dma_start3A_477 = tpu.memref_squeeze %dma_start3A_476 : memref<1x128x32xf32, #tpu.memory_space<vmem>> -> memref<128x32xf32, #tpu.memory_space<vmem>>
      %dma_start3A_478 = arith.constant 0 : i32
      %dma_start3A_479 = tpu.memref_slice %arg5[%add3A_472, %dma_start3A_478] : memref<104x128xi32, #tpu.memory_space<vmem>> -> memref<1x128xi32, #tpu.memory_space<vmem>>
      %dma_start3A_480 = tpu.memref_squeeze %dma_start3A_479 : memref<1x128xi32, #tpu.memory_space<vmem>> -> memref<128xi32, #tpu.memory_space<vmem>>
      %dma_start3A_481 = arith.constant 0 : i32
      %dma_start3A_482 = arith.constant 0 : i32
      %dma_start3A_483 = tpu.memref_slice %arg3[%dma_start3A_481, %dma_start3A_482] : memref<1000000x32xf32, #tpu.memory_space<hbm>> -> memref<1000000x32xf32, #tpu.memory_space<hbm>>
      tpu.enqueue_indirect_dma source(%dma_start3A_483 : memref<1000000x32xf32, #tpu.memory_space<hbm>>) target(%dma_start3A_477 : memref<128x32xf32, #tpu.memory_space<vmem>>) offsets(%dma_start3A_480 : memref<128xi32, #tpu.memory_space<vmem>>) semaphore(%arg14 : memref<!tpu.dma_semaphore, #tpu.memory_space<semaphore_mem>>)
    }
    %scan3A_108 = arith.constant 12 : i32
    %dma_wait3A = arith.constant 96 : i32
    %dma_wait3A_109 = arith.constant 0 : i32
    %dma_wait3A_110 = arith.constant 0 : i32
    %dma_wait3A_111 = arith.constant 0 : i32
    %dma_wait3A_112 = tpu.memref_slice %arg6[%dma_wait3A_109, %dma_wait3A_110, %dma_wait3A_111] : memref<8x128x32xf32, #tpu.memory_space<vmem>> -> memref<1x128x32xf32, #tpu.memory_space<vmem>>
    %dma_wait3A_113 = tpu.memref_squeeze %dma_wait3A_112 : memref<1x128x32xf32, #tpu.memory_space<vmem>> -> memref<128x32xf32, #tpu.memory_space<vmem>>
    %dma_wait3A_114 = arith.constant 0 : i32
    %dma_wait3A_115 = tpu.memref_slice %arg5[%dma_wait3A, %dma_wait3A_114] : memref<104x128xi32, #tpu.memory_space<vmem>> -> memref<1x128xi32, #tpu.memory_space<vmem>>
    %dma_wait3A_116 = tpu.memref_squeeze %dma_wait3A_115 : memref<1x128xi32, #tpu.memory_space<vmem>> -> memref<128xi32, #tpu.memory_space<vmem>>
    %dma_wait3A_117 = arith.constant 0 : i32
    %dma_wait3A_118 = arith.constant 0 : i32
    %dma_wait3A_119 = tpu.memref_slice %arg3[%dma_wait3A_117, %dma_wait3A_118] : memref<1000000x32xf32, #tpu.memory_space<hbm>> -> memref<1000000x32xf32, #tpu.memory_space<hbm>>
    tpu.wait_indirect_dma semaphore(%arg7 : memref<!tpu.dma_semaphore, #tpu.memory_space<semaphore_mem>>) src(%dma_wait3A_119 : memref<1000000x32xf32, #tpu.memory_space<hbm>>) dst(%dma_wait3A_113 : memref<128x32xf32, #tpu.memory_space<vmem>>)
    %add3A_120 = arith.constant 12288 : i32
    %add3A_121 = arith.addi %mul3A_2, %add3A_120 : i32
    %run_scoped3A = arith.constant 0 : i32
    "tpu.region"() ({
      %run_scoped3A_227 = tpu.sem_alloc : memref<!tpu.dma_semaphore, #tpu.memory_space<semaphore_mem>>
      %dma_start3A_228 = arith.constant 0 : i32
      %dma_start3A_229 = arith.constant 0 : i32
      %dma_start3A_230 = tpu.memref_slice %arg6[%run_scoped3A, %dma_start3A_228, %dma_start3A_229] : memref<8x128x32xf32, #tpu.memory_space<vmem>> -> memref<1x128x32xf32, #tpu.memory_space<vmem>>
      %dma_start3A_231 = tpu.memref_squeeze %dma_start3A_230 : memref<1x128x32xf32, #tpu.memory_space<vmem>> -> memref<128x32xf32, #tpu.memory_space<vmem>>
      %dma_start3A_232 = arith.constant 0 : i32
      %dma_start3A_233 = tpu.memref_slice %arg4[%add3A_121, %dma_start3A_232] : memref<425984x32xf32, #tpu.memory_space<hbm>> -> memref<128x32xf32, #tpu.memory_space<hbm>>
      %dma_start3A_234 = arith.constant 0 : i32
      %dma_start3A_235 = tpu.memref_slice %arg4[%add3A_121, %dma_start3A_234] : memref<425984x32xf32, #tpu.memory_space<hbm>> -> memref<128x32xf32, #tpu.memory_space<hbm>>
      %dma_start3A_236 = arith.constant 0 : i32
      %dma_start3A_237 = arith.constant 0 : i32
      %dma_start3A_238 = tpu.memref_slice %arg6[%run_scoped3A, %dma_start3A_236, %dma_start3A_237] : memref<8x128x32xf32, #tpu.memory_space<vmem>> -> memref<1x128x32xf32, #tpu.memory_space<vmem>>
      %dma_start3A_239 = tpu.memref_squeeze %dma_start3A_238 : memref<1x128x32xf32, #tpu.memory_space<vmem>> -> memref<128x32xf32, #tpu.memory_space<vmem>>
      tpu.enqueue_dma source(%dma_start3A_239 : memref<128x32xf32, #tpu.memory_space<vmem>>) target(%dma_start3A_235 : memref<128x32xf32, #tpu.memory_space<hbm>>) target_semaphore(%run_scoped3A_227 : memref<!tpu.dma_semaphore, #tpu.memory_space<semaphore_mem>>)
      %dma_wait3A_240 = arith.constant 0 : i32
      %dma_wait3A_241 = arith.constant 0 : i32
      %dma_wait3A_242 = tpu.memref_slice %arg6[%run_scoped3A, %dma_wait3A_240, %dma_wait3A_241] : memref<8x128x32xf32, #tpu.memory_space<vmem>> -> memref<1x128x32xf32, #tpu.memory_space<vmem>>
      %dma_wait3A_243 = tpu.memref_squeeze %dma_wait3A_242 : memref<1x128x32xf32, #tpu.memory_space<vmem>> -> memref<128x32xf32, #tpu.memory_space<vmem>>
      %dma_wait3A_244 = arith.constant 0 : i32
      %dma_wait3A_245 = tpu.memref_slice %arg4[%add3A_121, %dma_wait3A_244] : memref<425984x32xf32, #tpu.memory_space<hbm>> -> memref<128x32xf32, #tpu.memory_space<hbm>>
      %dma_wait3A_246 = arith.constant 0 : i32
      %dma_wait3A_247 = tpu.memref_slice %arg4[%add3A_121, %dma_wait3A_246] : memref<425984x32xf32, #tpu.memory_space<hbm>> -> memref<128x32xf32, #tpu.memory_space<hbm>>
      %dma_wait3A_248 = arith.constant 0 : i32
      %dma_wait3A_249 = arith.constant 0 : i32
      %dma_wait3A_250 = tpu.memref_slice %arg6[%run_scoped3A, %dma_wait3A_248, %dma_wait3A_249] : memref<8x128x32xf32, #tpu.memory_space<vmem>> -> memref<1x128x32xf32, #tpu.memory_space<vmem>>
      %dma_wait3A_251 = tpu.memref_squeeze %dma_wait3A_250 : memref<1x128x32xf32, #tpu.memory_space<vmem>> -> memref<128x32xf32, #tpu.memory_space<vmem>>
      tpu.wait_dma2 semaphore(%run_scoped3A_227 : memref<!tpu.dma_semaphore, #tpu.memory_space<semaphore_mem>>) src(%dma_wait3A_251 : memref<128x32xf32, #tpu.memory_space<vmem>>) dst(%dma_wait3A_247 : memref<128x32xf32, #tpu.memory_space<hbm>>)
      tpu.yield
    }) : () -> ()
    %dma_wait3A_122 = arith.constant 97 : i32
    %dma_wait3A_123 = arith.constant 1 : i32
    %dma_wait3A_124 = arith.constant 0 : i32
    %dma_wait3A_125 = arith.constant 0 : i32
    %dma_wait3A_126 = tpu.memref_slice %arg6[%dma_wait3A_123, %dma_wait3A_124, %dma_wait3A_125] : memref<8x128x32xf32, #tpu.memory_space<vmem>> -> memref<1x128x32xf32, #tpu.memory_space<vmem>>
    %dma_wait3A_127 = tpu.memref_squeeze %dma_wait3A_126 : memref<1x128x32xf32, #tpu.memory_space<vmem>> -> memref<128x32xf32, #tpu.memory_space<vmem>>
    %dma_wait3A_128 = arith.constant 0 : i32
    %dma_wait3A_129 = tpu.memref_slice %arg5[%dma_wait3A_122, %dma_wait3A_128] : memref<104x128xi32, #tpu.memory_space<vmem>> -> memref<1x128xi32, #tpu.memory_space<vmem>>
    %dma_wait3A_130 = tpu.memref_squeeze %dma_wait3A_129 : memref<1x128xi32, #tpu.memory_space<vmem>> -> memref<128xi32, #tpu.memory_space<vmem>>
    %dma_wait3A_131 = arith.constant 0 : i32
    %dma_wait3A_132 = arith.constant 0 : i32
    %dma_wait3A_133 = tpu.memref_slice %arg3[%dma_wait3A_131, %dma_wait3A_132] : memref<1000000x32xf32, #tpu.memory_space<hbm>> -> memref<1000000x32xf32, #tpu.memory_space<hbm>>
    tpu.wait_indirect_dma semaphore(%arg8 : memref<!tpu.dma_semaphore, #tpu.memory_space<semaphore_mem>>) src(%dma_wait3A_133 : memref<1000000x32xf32, #tpu.memory_space<hbm>>) dst(%dma_wait3A_127 : memref<128x32xf32, #tpu.memory_space<vmem>>)
    %add3A_134 = arith.constant 12416 : i32
    %add3A_135 = arith.addi %mul3A_2, %add3A_134 : i32
    %run_scoped3A_136 = arith.constant 1 : i32
    "tpu.region"() ({
      %run_scoped3A_227 = tpu.sem_alloc : memref<!tpu.dma_semaphore, #tpu.memory_space<semaphore_mem>>
      %dma_start3A_228 = arith.constant 0 : i32
      %dma_start3A_229 = arith.constant 0 : i32
      %dma_start3A_230 = tpu.memref_slice %arg6[%run_scoped3A_136, %dma_start3A_228, %dma_start3A_229] : memref<8x128x32xf32, #tpu.memory_space<vmem>> -> memref<1x128x32xf32, #tpu.memory_space<vmem>>
      %dma_start3A_231 = tpu.memref_squeeze %dma_start3A_230 : memref<1x128x32xf32, #tpu.memory_space<vmem>> -> memref<128x32xf32, #tpu.memory_space<vmem>>
      %dma_start3A_232 = arith.constant 0 : i32
      %dma_start3A_233 = tpu.memref_slice %arg4[%add3A_135, %dma_start3A_232] : memref<425984x32xf32, #tpu.memory_space<hbm>> -> memref<128x32xf32, #tpu.memory_space<hbm>>
      %dma_start3A_234 = arith.constant 0 : i32
      %dma_start3A_235 = tpu.memref_slice %arg4[%add3A_135, %dma_start3A_234] : memref<425984x32xf32, #tpu.memory_space<hbm>> -> memref<128x32xf32, #tpu.memory_space<hbm>>
      %dma_start3A_236 = arith.constant 0 : i32
      %dma_start3A_237 = arith.constant 0 : i32
      %dma_start3A_238 = tpu.memref_slice %arg6[%run_scoped3A_136, %dma_start3A_236, %dma_start3A_237] : memref<8x128x32xf32, #tpu.memory_space<vmem>> -> memref<1x128x32xf32, #tpu.memory_space<vmem>>
      %dma_start3A_239 = tpu.memref_squeeze %dma_start3A_238 : memref<1x128x32xf32, #tpu.memory_space<vmem>> -> memref<128x32xf32, #tpu.memory_space<vmem>>
      tpu.enqueue_dma source(%dma_start3A_239 : memref<128x32xf32, #tpu.memory_space<vmem>>) target(%dma_start3A_235 : memref<128x32xf32, #tpu.memory_space<hbm>>) target_semaphore(%run_scoped3A_227 : memref<!tpu.dma_semaphore, #tpu.memory_space<semaphore_mem>>)
      %dma_wait3A_240 = arith.constant 0 : i32
      %dma_wait3A_241 = arith.constant 0 : i32
      %dma_wait3A_242 = tpu.memref_slice %arg6[%run_scoped3A_136, %dma_wait3A_240, %dma_wait3A_241] : memref<8x128x32xf32, #tpu.memory_space<vmem>> -> memref<1x128x32xf32, #tpu.memory_space<vmem>>
      %dma_wait3A_243 = tpu.memref_squeeze %dma_wait3A_242 : memref<1x128x32xf32, #tpu.memory_space<vmem>> -> memref<128x32xf32, #tpu.memory_space<vmem>>
      %dma_wait3A_244 = arith.constant 0 : i32
      %dma_wait3A_245 = tpu.memref_slice %arg4[%add3A_135, %dma_wait3A_244] : memref<425984x32xf32, #tpu.memory_space<hbm>> -> memref<128x32xf32, #tpu.memory_space<hbm>>
      %dma_wait3A_246 = arith.constant 0 : i32
      %dma_wait3A_247 = tpu.memref_slice %arg4[%add3A_135, %dma_wait3A_246] : memref<425984x32xf32, #tpu.memory_space<hbm>> -> memref<128x32xf32, #tpu.memory_space<hbm>>
      %dma_wait3A_248 = arith.constant 0 : i32
      %dma_wait3A_249 = arith.constant 0 : i32
      %dma_wait3A_250 = tpu.memref_slice %arg6[%run_scoped3A_136, %dma_wait3A_248, %dma_wait3A_249] : memref<8x128x32xf32, #tpu.memory_space<vmem>> -> memref<1x128x32xf32, #tpu.memory_space<vmem>>
      %dma_wait3A_251 = tpu.memref_squeeze %dma_wait3A_250 : memref<1x128x32xf32, #tpu.memory_space<vmem>> -> memref<128x32xf32, #tpu.memory_space<vmem>>
      tpu.wait_dma2 semaphore(%run_scoped3A_227 : memref<!tpu.dma_semaphore, #tpu.memory_space<semaphore_mem>>) src(%dma_wait3A_251 : memref<128x32xf32, #tpu.memory_space<vmem>>) dst(%dma_wait3A_247 : memref<128x32xf32, #tpu.memory_space<hbm>>)
      tpu.yield
    }) : () -> ()
    %dma_wait3A_137 = arith.constant 98 : i32
    %dma_wait3A_138 = arith.constant 2 : i32
    %dma_wait3A_139 = arith.constant 0 : i32
    %dma_wait3A_140 = arith.constant 0 : i32
    %dma_wait3A_141 = tpu.memref_slice %arg6[%dma_wait3A_138, %dma_wait3A_139, %dma_wait3A_140] : memref<8x128x32xf32, #tpu.memory_space<vmem>> -> memref<1x128x32xf32, #tpu.memory_space<vmem>>
    %dma_wait3A_142 = tpu.memref_squeeze %dma_wait3A_141 : memref<1x128x32xf32, #tpu.memory_space<vmem>> -> memref<128x32xf32, #tpu.memory_space<vmem>>
    %dma_wait3A_143 = arith.constant 0 : i32
    %dma_wait3A_144 = tpu.memref_slice %arg5[%dma_wait3A_137, %dma_wait3A_143] : memref<104x128xi32, #tpu.memory_space<vmem>> -> memref<1x128xi32, #tpu.memory_space<vmem>>
    %dma_wait3A_145 = tpu.memref_squeeze %dma_wait3A_144 : memref<1x128xi32, #tpu.memory_space<vmem>> -> memref<128xi32, #tpu.memory_space<vmem>>
    %dma_wait3A_146 = arith.constant 0 : i32
    %dma_wait3A_147 = arith.constant 0 : i32
    %dma_wait3A_148 = tpu.memref_slice %arg3[%dma_wait3A_146, %dma_wait3A_147] : memref<1000000x32xf32, #tpu.memory_space<hbm>> -> memref<1000000x32xf32, #tpu.memory_space<hbm>>
    tpu.wait_indirect_dma semaphore(%arg9 : memref<!tpu.dma_semaphore, #tpu.memory_space<semaphore_mem>>) src(%dma_wait3A_148 : memref<1000000x32xf32, #tpu.memory_space<hbm>>) dst(%dma_wait3A_142 : memref<128x32xf32, #tpu.memory_space<vmem>>)
    %add3A_149 = arith.constant 12544 : i32
    %add3A_150 = arith.addi %mul3A_2, %add3A_149 : i32
    %run_scoped3A_151 = arith.constant 2 : i32
    "tpu.region"() ({
      %run_scoped3A_227 = tpu.sem_alloc : memref<!tpu.dma_semaphore, #tpu.memory_space<semaphore_mem>>
      %dma_start3A_228 = arith.constant 0 : i32
      %dma_start3A_229 = arith.constant 0 : i32
      %dma_start3A_230 = tpu.memref_slice %arg6[%run_scoped3A_151, %dma_start3A_228, %dma_start3A_229] : memref<8x128x32xf32, #tpu.memory_space<vmem>> -> memref<1x128x32xf32, #tpu.memory_space<vmem>>
      %dma_start3A_231 = tpu.memref_squeeze %dma_start3A_230 : memref<1x128x32xf32, #tpu.memory_space<vmem>> -> memref<128x32xf32, #tpu.memory_space<vmem>>
      %dma_start3A_232 = arith.constant 0 : i32
      %dma_start3A_233 = tpu.memref_slice %arg4[%add3A_150, %dma_start3A_232] : memref<425984x32xf32, #tpu.memory_space<hbm>> -> memref<128x32xf32, #tpu.memory_space<hbm>>
      %dma_start3A_234 = arith.constant 0 : i32
      %dma_start3A_235 = tpu.memref_slice %arg4[%add3A_150, %dma_start3A_234] : memref<425984x32xf32, #tpu.memory_space<hbm>> -> memref<128x32xf32, #tpu.memory_space<hbm>>
      %dma_start3A_236 = arith.constant 0 : i32
      %dma_start3A_237 = arith.constant 0 : i32
      %dma_start3A_238 = tpu.memref_slice %arg6[%run_scoped3A_151, %dma_start3A_236, %dma_start3A_237] : memref<8x128x32xf32, #tpu.memory_space<vmem>> -> memref<1x128x32xf32, #tpu.memory_space<vmem>>
      %dma_start3A_239 = tpu.memref_squeeze %dma_start3A_238 : memref<1x128x32xf32, #tpu.memory_space<vmem>> -> memref<128x32xf32, #tpu.memory_space<vmem>>
      tpu.enqueue_dma source(%dma_start3A_239 : memref<128x32xf32, #tpu.memory_space<vmem>>) target(%dma_start3A_235 : memref<128x32xf32, #tpu.memory_space<hbm>>) target_semaphore(%run_scoped3A_227 : memref<!tpu.dma_semaphore, #tpu.memory_space<semaphore_mem>>)
      %dma_wait3A_240 = arith.constant 0 : i32
      %dma_wait3A_241 = arith.constant 0 : i32
      %dma_wait3A_242 = tpu.memref_slice %arg6[%run_scoped3A_151, %dma_wait3A_240, %dma_wait3A_241] : memref<8x128x32xf32, #tpu.memory_space<vmem>> -> memref<1x128x32xf32, #tpu.memory_space<vmem>>
      %dma_wait3A_243 = tpu.memref_squeeze %dma_wait3A_242 : memref<1x128x32xf32, #tpu.memory_space<vmem>> -> memref<128x32xf32, #tpu.memory_space<vmem>>
      %dma_wait3A_244 = arith.constant 0 : i32
      %dma_wait3A_245 = tpu.memref_slice %arg4[%add3A_150, %dma_wait3A_244] : memref<425984x32xf32, #tpu.memory_space<hbm>> -> memref<128x32xf32, #tpu.memory_space<hbm>>
      %dma_wait3A_246 = arith.constant 0 : i32
      %dma_wait3A_247 = tpu.memref_slice %arg4[%add3A_150, %dma_wait3A_246] : memref<425984x32xf32, #tpu.memory_space<hbm>> -> memref<128x32xf32, #tpu.memory_space<hbm>>
      %dma_wait3A_248 = arith.constant 0 : i32
      %dma_wait3A_249 = arith.constant 0 : i32
      %dma_wait3A_250 = tpu.memref_slice %arg6[%run_scoped3A_151, %dma_wait3A_248, %dma_wait3A_249] : memref<8x128x32xf32, #tpu.memory_space<vmem>> -> memref<1x128x32xf32, #tpu.memory_space<vmem>>
      %dma_wait3A_251 = tpu.memref_squeeze %dma_wait3A_250 : memref<1x128x32xf32, #tpu.memory_space<vmem>> -> memref<128x32xf32, #tpu.memory_space<vmem>>
      tpu.wait_dma2 semaphore(%run_scoped3A_227 : memref<!tpu.dma_semaphore, #tpu.memory_space<semaphore_mem>>) src(%dma_wait3A_251 : memref<128x32xf32, #tpu.memory_space<vmem>>) dst(%dma_wait3A_247 : memref<128x32xf32, #tpu.memory_space<hbm>>)
      tpu.yield
    }) : () -> ()
    %dma_wait3A_152 = arith.constant 99 : i32
    %dma_wait3A_153 = arith.constant 3 : i32
    %dma_wait3A_154 = arith.constant 0 : i32
    %dma_wait3A_155 = arith.constant 0 : i32
    %dma_wait3A_156 = tpu.memref_slice %arg6[%dma_wait3A_153, %dma_wait3A_154, %dma_wait3A_155] : memref<8x128x32xf32, #tpu.memory_space<vmem>> -> memref<1x128x32xf32, #tpu.memory_space<vmem>>
    %dma_wait3A_157 = tpu.memref_squeeze %dma_wait3A_156 : memref<1x128x32xf32, #tpu.memory_space<vmem>> -> memref<128x32xf32, #tpu.memory_space<vmem>>
    %dma_wait3A_158 = arith.constant 0 : i32
    %dma_wait3A_159 = tpu.memref_slice %arg5[%dma_wait3A_152, %dma_wait3A_158] : memref<104x128xi32, #tpu.memory_space<vmem>> -> memref<1x128xi32, #tpu.memory_space<vmem>>
    %dma_wait3A_160 = tpu.memref_squeeze %dma_wait3A_159 : memref<1x128xi32, #tpu.memory_space<vmem>> -> memref<128xi32, #tpu.memory_space<vmem>>
    %dma_wait3A_161 = arith.constant 0 : i32
    %dma_wait3A_162 = arith.constant 0 : i32
    %dma_wait3A_163 = tpu.memref_slice %arg3[%dma_wait3A_161, %dma_wait3A_162] : memref<1000000x32xf32, #tpu.memory_space<hbm>> -> memref<1000000x32xf32, #tpu.memory_space<hbm>>
    tpu.wait_indirect_dma semaphore(%arg10 : memref<!tpu.dma_semaphore, #tpu.memory_space<semaphore_mem>>) src(%dma_wait3A_163 : memref<1000000x32xf32, #tpu.memory_space<hbm>>) dst(%dma_wait3A_157 : memref<128x32xf32, #tpu.memory_space<vmem>>)
    %add3A_164 = arith.constant 12672 : i32
    %add3A_165 = arith.addi %mul3A_2, %add3A_164 : i32
    %run_scoped3A_166 = arith.constant 3 : i32
    "tpu.region"() ({
      %run_scoped3A_227 = tpu.sem_alloc : memref<!tpu.dma_semaphore, #tpu.memory_space<semaphore_mem>>
      %dma_start3A_228 = arith.constant 0 : i32
      %dma_start3A_229 = arith.constant 0 : i32
      %dma_start3A_230 = tpu.memref_slice %arg6[%run_scoped3A_166, %dma_start3A_228, %dma_start3A_229] : memref<8x128x32xf32, #tpu.memory_space<vmem>> -> memref<1x128x32xf32, #tpu.memory_space<vmem>>
      %dma_start3A_231 = tpu.memref_squeeze %dma_start3A_230 : memref<1x128x32xf32, #tpu.memory_space<vmem>> -> memref<128x32xf32, #tpu.memory_space<vmem>>
      %dma_start3A_232 = arith.constant 0 : i32
      %dma_start3A_233 = tpu.memref_slice %arg4[%add3A_165, %dma_start3A_232] : memref<425984x32xf32, #tpu.memory_space<hbm>> -> memref<128x32xf32, #tpu.memory_space<hbm>>
      %dma_start3A_234 = arith.constant 0 : i32
      %dma_start3A_235 = tpu.memref_slice %arg4[%add3A_165, %dma_start3A_234] : memref<425984x32xf32, #tpu.memory_space<hbm>> -> memref<128x32xf32, #tpu.memory_space<hbm>>
      %dma_start3A_236 = arith.constant 0 : i32
      %dma_start3A_237 = arith.constant 0 : i32
      %dma_start3A_238 = tpu.memref_slice %arg6[%run_scoped3A_166, %dma_start3A_236, %dma_start3A_237] : memref<8x128x32xf32, #tpu.memory_space<vmem>> -> memref<1x128x32xf32, #tpu.memory_space<vmem>>
      %dma_start3A_239 = tpu.memref_squeeze %dma_start3A_238 : memref<1x128x32xf32, #tpu.memory_space<vmem>> -> memref<128x32xf32, #tpu.memory_space<vmem>>
      tpu.enqueue_dma source(%dma_start3A_239 : memref<128x32xf32, #tpu.memory_space<vmem>>) target(%dma_start3A_235 : memref<128x32xf32, #tpu.memory_space<hbm>>) target_semaphore(%run_scoped3A_227 : memref<!tpu.dma_semaphore, #tpu.memory_space<semaphore_mem>>)
      %dma_wait3A_240 = arith.constant 0 : i32
      %dma_wait3A_241 = arith.constant 0 : i32
      %dma_wait3A_242 = tpu.memref_slice %arg6[%run_scoped3A_166, %dma_wait3A_240, %dma_wait3A_241] : memref<8x128x32xf32, #tpu.memory_space<vmem>> -> memref<1x128x32xf32, #tpu.memory_space<vmem>>
      %dma_wait3A_243 = tpu.memref_squeeze %dma_wait3A_242 : memref<1x128x32xf32, #tpu.memory_space<vmem>> -> memref<128x32xf32, #tpu.memory_space<vmem>>
      %dma_wait3A_244 = arith.constant 0 : i32
      %dma_wait3A_245 = tpu.memref_slice %arg4[%add3A_165, %dma_wait3A_244] : memref<425984x32xf32, #tpu.memory_space<hbm>> -> memref<128x32xf32, #tpu.memory_space<hbm>>
      %dma_wait3A_246 = arith.constant 0 : i32
      %dma_wait3A_247 = tpu.memref_slice %arg4[%add3A_165, %dma_wait3A_246] : memref<425984x32xf32, #tpu.memory_space<hbm>> -> memref<128x32xf32, #tpu.memory_space<hbm>>
      %dma_wait3A_248 = arith.constant 0 : i32
      %dma_wait3A_249 = arith.constant 0 : i32
      %dma_wait3A_250 = tpu.memref_slice %arg6[%run_scoped3A_166, %dma_wait3A_248, %dma_wait3A_249] : memref<8x128x32xf32, #tpu.memory_space<vmem>> -> memref<1x128x32xf32, #tpu.memory_space<vmem>>
      %dma_wait3A_251 = tpu.memref_squeeze %dma_wait3A_250 : memref<1x128x32xf32, #tpu.memory_space<vmem>> -> memref<128x32xf32, #tpu.memory_space<vmem>>
      tpu.wait_dma2 semaphore(%run_scoped3A_227 : memref<!tpu.dma_semaphore, #tpu.memory_space<semaphore_mem>>) src(%dma_wait3A_251 : memref<128x32xf32, #tpu.memory_space<vmem>>) dst(%dma_wait3A_247 : memref<128x32xf32, #tpu.memory_space<hbm>>)
      tpu.yield
    }) : () -> ()
    %dma_wait3A_167 = arith.constant 100 : i32
    %dma_wait3A_168 = arith.constant 4 : i32
    %dma_wait3A_169 = arith.constant 0 : i32
    %dma_wait3A_170 = arith.constant 0 : i32
    %dma_wait3A_171 = tpu.memref_slice %arg6[%dma_wait3A_168, %dma_wait3A_169, %dma_wait3A_170] : memref<8x128x32xf32, #tpu.memory_space<vmem>> -> memref<1x128x32xf32, #tpu.memory_space<vmem>>
    %dma_wait3A_172 = tpu.memref_squeeze %dma_wait3A_171 : memref<1x128x32xf32, #tpu.memory_space<vmem>> -> memref<128x32xf32, #tpu.memory_space<vmem>>
    %dma_wait3A_173 = arith.constant 0 : i32
    %dma_wait3A_174 = tpu.memref_slice %arg5[%dma_wait3A_167, %dma_wait3A_173] : memref<104x128xi32, #tpu.memory_space<vmem>> -> memref<1x128xi32, #tpu.memory_space<vmem>>
    %dma_wait3A_175 = tpu.memref_squeeze %dma_wait3A_174 : memref<1x128xi32, #tpu.memory_space<vmem>> -> memref<128xi32, #tpu.memory_space<vmem>>
    %dma_wait3A_176 = arith.constant 0 : i32
    %dma_wait3A_177 = arith.constant 0 : i32
    %dma_wait3A_178 = tpu.memref_slice %arg3[%dma_wait3A_176, %dma_wait3A_177] : memref<1000000x32xf32, #tpu.memory_space<hbm>> -> memref<1000000x32xf32, #tpu.memory_space<hbm>>
    tpu.wait_indirect_dma semaphore(%arg11 : memref<!tpu.dma_semaphore, #tpu.memory_space<semaphore_mem>>) src(%dma_wait3A_178 : memref<1000000x32xf32, #tpu.memory_space<hbm>>) dst(%dma_wait3A_172 : memref<128x32xf32, #tpu.memory_space<vmem>>)
    %add3A_179 = arith.constant 12800 : i32
    %add3A_180 = arith.addi %mul3A_2, %add3A_179 : i32
    %run_scoped3A_181 = arith.constant 4 : i32
    "tpu.region"() ({
      %run_scoped3A_227 = tpu.sem_alloc : memref<!tpu.dma_semaphore, #tpu.memory_space<semaphore_mem>>
      %dma_start3A_228 = arith.constant 0 : i32
      %dma_start3A_229 = arith.constant 0 : i32
      %dma_start3A_230 = tpu.memref_slice %arg6[%run_scoped3A_181, %dma_start3A_228, %dma_start3A_229] : memref<8x128x32xf32, #tpu.memory_space<vmem>> -> memref<1x128x32xf32, #tpu.memory_space<vmem>>
      %dma_start3A_231 = tpu.memref_squeeze %dma_start3A_230 : memref<1x128x32xf32, #tpu.memory_space<vmem>> -> memref<128x32xf32, #tpu.memory_space<vmem>>
      %dma_start3A_232 = arith.constant 0 : i32
      %dma_start3A_233 = tpu.memref_slice %arg4[%add3A_180, %dma_start3A_232] : memref<425984x32xf32, #tpu.memory_space<hbm>> -> memref<128x32xf32, #tpu.memory_space<hbm>>
      %dma_start3A_234 = arith.constant 0 : i32
      %dma_start3A_235 = tpu.memref_slice %arg4[%add3A_180, %dma_start3A_234] : memref<425984x32xf32, #tpu.memory_space<hbm>> -> memref<128x32xf32, #tpu.memory_space<hbm>>
      %dma_start3A_236 = arith.constant 0 : i32
      %dma_start3A_237 = arith.constant 0 : i32
      %dma_start3A_238 = tpu.memref_slice %arg6[%run_scoped3A_181, %dma_start3A_236, %dma_start3A_237] : memref<8x128x32xf32, #tpu.memory_space<vmem>> -> memref<1x128x32xf32, #tpu.memory_space<vmem>>
      %dma_start3A_239 = tpu.memref_squeeze %dma_start3A_238 : memref<1x128x32xf32, #tpu.memory_space<vmem>> -> memref<128x32xf32, #tpu.memory_space<vmem>>
      tpu.enqueue_dma source(%dma_start3A_239 : memref<128x32xf32, #tpu.memory_space<vmem>>) target(%dma_start3A_235 : memref<128x32xf32, #tpu.memory_space<hbm>>) target_semaphore(%run_scoped3A_227 : memref<!tpu.dma_semaphore, #tpu.memory_space<semaphore_mem>>)
      %dma_wait3A_240 = arith.constant 0 : i32
      %dma_wait3A_241 = arith.constant 0 : i32
      %dma_wait3A_242 = tpu.memref_slice %arg6[%run_scoped3A_181, %dma_wait3A_240, %dma_wait3A_241] : memref<8x128x32xf32, #tpu.memory_space<vmem>> -> memref<1x128x32xf32, #tpu.memory_space<vmem>>
      %dma_wait3A_243 = tpu.memref_squeeze %dma_wait3A_242 : memref<1x128x32xf32, #tpu.memory_space<vmem>> -> memref<128x32xf32, #tpu.memory_space<vmem>>
      %dma_wait3A_244 = arith.constant 0 : i32
      %dma_wait3A_245 = tpu.memref_slice %arg4[%add3A_180, %dma_wait3A_244] : memref<425984x32xf32, #tpu.memory_space<hbm>> -> memref<128x32xf32, #tpu.memory_space<hbm>>
      %dma_wait3A_246 = arith.constant 0 : i32
      %dma_wait3A_247 = tpu.memref_slice %arg4[%add3A_180, %dma_wait3A_246] : memref<425984x32xf32, #tpu.memory_space<hbm>> -> memref<128x32xf32, #tpu.memory_space<hbm>>
      %dma_wait3A_248 = arith.constant 0 : i32
      %dma_wait3A_249 = arith.constant 0 : i32
      %dma_wait3A_250 = tpu.memref_slice %arg6[%run_scoped3A_181, %dma_wait3A_248, %dma_wait3A_249] : memref<8x128x32xf32, #tpu.memory_space<vmem>> -> memref<1x128x32xf32, #tpu.memory_space<vmem>>
      %dma_wait3A_251 = tpu.memref_squeeze %dma_wait3A_250 : memref<1x128x32xf32, #tpu.memory_space<vmem>> -> memref<128x32xf32, #tpu.memory_space<vmem>>
      tpu.wait_dma2 semaphore(%run_scoped3A_227 : memref<!tpu.dma_semaphore, #tpu.memory_space<semaphore_mem>>) src(%dma_wait3A_251 : memref<128x32xf32, #tpu.memory_space<vmem>>) dst(%dma_wait3A_247 : memref<128x32xf32, #tpu.memory_space<hbm>>)
      tpu.yield
    }) : () -> ()
    %dma_wait3A_182 = arith.constant 101 : i32
    %dma_wait3A_183 = arith.constant 5 : i32
    %dma_wait3A_184 = arith.constant 0 : i32
    %dma_wait3A_185 = arith.constant 0 : i32
    %dma_wait3A_186 = tpu.memref_slice %arg6[%dma_wait3A_183, %dma_wait3A_184, %dma_wait3A_185] : memref<8x128x32xf32, #tpu.memory_space<vmem>> -> memref<1x128x32xf32, #tpu.memory_space<vmem>>
    %dma_wait3A_187 = tpu.memref_squeeze %dma_wait3A_186 : memref<1x128x32xf32, #tpu.memory_space<vmem>> -> memref<128x32xf32, #tpu.memory_space<vmem>>
    %dma_wait3A_188 = arith.constant 0 : i32
    %dma_wait3A_189 = tpu.memref_slice %arg5[%dma_wait3A_182, %dma_wait3A_188] : memref<104x128xi32, #tpu.memory_space<vmem>> -> memref<1x128xi32, #tpu.memory_space<vmem>>
    %dma_wait3A_190 = tpu.memref_squeeze %dma_wait3A_189 : memref<1x128xi32, #tpu.memory_space<vmem>> -> memref<128xi32, #tpu.memory_space<vmem>>
    %dma_wait3A_191 = arith.constant 0 : i32
    %dma_wait3A_192 = arith.constant 0 : i32
    %dma_wait3A_193 = tpu.memref_slice %arg3[%dma_wait3A_191, %dma_wait3A_192] : memref<1000000x32xf32, #tpu.memory_space<hbm>> -> memref<1000000x32xf32, #tpu.memory_space<hbm>>
    tpu.wait_indirect_dma semaphore(%arg12 : memref<!tpu.dma_semaphore, #tpu.memory_space<semaphore_mem>>) src(%dma_wait3A_193 : memref<1000000x32xf32, #tpu.memory_space<hbm>>) dst(%dma_wait3A_187 : memref<128x32xf32, #tpu.memory_space<vmem>>)
    %add3A_194 = arith.constant 12928 : i32
    %add3A_195 = arith.addi %mul3A_2, %add3A_194 : i32
    %run_scoped3A_196 = arith.constant 5 : i32
    "tpu.region"() ({
      %run_scoped3A_227 = tpu.sem_alloc : memref<!tpu.dma_semaphore, #tpu.memory_space<semaphore_mem>>
      %dma_start3A_228 = arith.constant 0 : i32
      %dma_start3A_229 = arith.constant 0 : i32
      %dma_start3A_230 = tpu.memref_slice %arg6[%run_scoped3A_196, %dma_start3A_228, %dma_start3A_229] : memref<8x128x32xf32, #tpu.memory_space<vmem>> -> memref<1x128x32xf32, #tpu.memory_space<vmem>>
      %dma_start3A_231 = tpu.memref_squeeze %dma_start3A_230 : memref<1x128x32xf32, #tpu.memory_space<vmem>> -> memref<128x32xf32, #tpu.memory_space<vmem>>
      %dma_start3A_232 = arith.constant 0 : i32
      %dma_start3A_233 = tpu.memref_slice %arg4[%add3A_195, %dma_start3A_232] : memref<425984x32xf32, #tpu.memory_space<hbm>> -> memref<128x32xf32, #tpu.memory_space<hbm>>
      %dma_start3A_234 = arith.constant 0 : i32
      %dma_start3A_235 = tpu.memref_slice %arg4[%add3A_195, %dma_start3A_234] : memref<425984x32xf32, #tpu.memory_space<hbm>> -> memref<128x32xf32, #tpu.memory_space<hbm>>
      %dma_start3A_236 = arith.constant 0 : i32
      %dma_start3A_237 = arith.constant 0 : i32
      %dma_start3A_238 = tpu.memref_slice %arg6[%run_scoped3A_196, %dma_start3A_236, %dma_start3A_237] : memref<8x128x32xf32, #tpu.memory_space<vmem>> -> memref<1x128x32xf32, #tpu.memory_space<vmem>>
      %dma_start3A_239 = tpu.memref_squeeze %dma_start3A_238 : memref<1x128x32xf32, #tpu.memory_space<vmem>> -> memref<128x32xf32, #tpu.memory_space<vmem>>
      tpu.enqueue_dma source(%dma_start3A_239 : memref<128x32xf32, #tpu.memory_space<vmem>>) target(%dma_start3A_235 : memref<128x32xf32, #tpu.memory_space<hbm>>) target_semaphore(%run_scoped3A_227 : memref<!tpu.dma_semaphore, #tpu.memory_space<semaphore_mem>>)
      %dma_wait3A_240 = arith.constant 0 : i32
      %dma_wait3A_241 = arith.constant 0 : i32
      %dma_wait3A_242 = tpu.memref_slice %arg6[%run_scoped3A_196, %dma_wait3A_240, %dma_wait3A_241] : memref<8x128x32xf32, #tpu.memory_space<vmem>> -> memref<1x128x32xf32, #tpu.memory_space<vmem>>
      %dma_wait3A_243 = tpu.memref_squeeze %dma_wait3A_242 : memref<1x128x32xf32, #tpu.memory_space<vmem>> -> memref<128x32xf32, #tpu.memory_space<vmem>>
      %dma_wait3A_244 = arith.constant 0 : i32
      %dma_wait3A_245 = tpu.memref_slice %arg4[%add3A_195, %dma_wait3A_244] : memref<425984x32xf32, #tpu.memory_space<hbm>> -> memref<128x32xf32, #tpu.memory_space<hbm>>
      %dma_wait3A_246 = arith.constant 0 : i32
      %dma_wait3A_247 = tpu.memref_slice %arg4[%add3A_195, %dma_wait3A_246] : memref<425984x32xf32, #tpu.memory_space<hbm>> -> memref<128x32xf32, #tpu.memory_space<hbm>>
      %dma_wait3A_248 = arith.constant 0 : i32
      %dma_wait3A_249 = arith.constant 0 : i32
      %dma_wait3A_250 = tpu.memref_slice %arg6[%run_scoped3A_196, %dma_wait3A_248, %dma_wait3A_249] : memref<8x128x32xf32, #tpu.memory_space<vmem>> -> memref<1x128x32xf32, #tpu.memory_space<vmem>>
      %dma_wait3A_251 = tpu.memref_squeeze %dma_wait3A_250 : memref<1x128x32xf32, #tpu.memory_space<vmem>> -> memref<128x32xf32, #tpu.memory_space<vmem>>
      tpu.wait_dma2 semaphore(%run_scoped3A_227 : memref<!tpu.dma_semaphore, #tpu.memory_space<semaphore_mem>>) src(%dma_wait3A_251 : memref<128x32xf32, #tpu.memory_space<vmem>>) dst(%dma_wait3A_247 : memref<128x32xf32, #tpu.memory_space<hbm>>)
      tpu.yield
    }) : () -> ()
    %dma_wait3A_197 = arith.constant 102 : i32
    %dma_wait3A_198 = arith.constant 6 : i32
    %dma_wait3A_199 = arith.constant 0 : i32
    %dma_wait3A_200 = arith.constant 0 : i32
    %dma_wait3A_201 = tpu.memref_slice %arg6[%dma_wait3A_198, %dma_wait3A_199, %dma_wait3A_200] : memref<8x128x32xf32, #tpu.memory_space<vmem>> -> memref<1x128x32xf32, #tpu.memory_space<vmem>>
    %dma_wait3A_202 = tpu.memref_squeeze %dma_wait3A_201 : memref<1x128x32xf32, #tpu.memory_space<vmem>> -> memref<128x32xf32, #tpu.memory_space<vmem>>
    %dma_wait3A_203 = arith.constant 0 : i32
    %dma_wait3A_204 = tpu.memref_slice %arg5[%dma_wait3A_197, %dma_wait3A_203] : memref<104x128xi32, #tpu.memory_space<vmem>> -> memref<1x128xi32, #tpu.memory_space<vmem>>
    %dma_wait3A_205 = tpu.memref_squeeze %dma_wait3A_204 : memref<1x128xi32, #tpu.memory_space<vmem>> -> memref<128xi32, #tpu.memory_space<vmem>>
    %dma_wait3A_206 = arith.constant 0 : i32
    %dma_wait3A_207 = arith.constant 0 : i32
    %dma_wait3A_208 = tpu.memref_slice %arg3[%dma_wait3A_206, %dma_wait3A_207] : memref<1000000x32xf32, #tpu.memory_space<hbm>> -> memref<1000000x32xf32, #tpu.memory_space<hbm>>
    tpu.wait_indirect_dma semaphore(%arg13 : memref<!tpu.dma_semaphore, #tpu.memory_space<semaphore_mem>>) src(%dma_wait3A_208 : memref<1000000x32xf32, #tpu.memory_space<hbm>>) dst(%dma_wait3A_202 : memref<128x32xf32, #tpu.memory_space<vmem>>)
    %add3A_209 = arith.constant 13056 : i32
    %add3A_210 = arith.addi %mul3A_2, %add3A_209 : i32
    %run_scoped3A_211 = arith.constant 6 : i32
    "tpu.region"() ({
      %run_scoped3A_227 = tpu.sem_alloc : memref<!tpu.dma_semaphore, #tpu.memory_space<semaphore_mem>>
      %dma_start3A_228 = arith.constant 0 : i32
      %dma_start3A_229 = arith.constant 0 : i32
      %dma_start3A_230 = tpu.memref_slice %arg6[%run_scoped3A_211, %dma_start3A_228, %dma_start3A_229] : memref<8x128x32xf32, #tpu.memory_space<vmem>> -> memref<1x128x32xf32, #tpu.memory_space<vmem>>
      %dma_start3A_231 = tpu.memref_squeeze %dma_start3A_230 : memref<1x128x32xf32, #tpu.memory_space<vmem>> -> memref<128x32xf32, #tpu.memory_space<vmem>>
      %dma_start3A_232 = arith.constant 0 : i32
      %dma_start3A_233 = tpu.memref_slice %arg4[%add3A_210, %dma_start3A_232] : memref<425984x32xf32, #tpu.memory_space<hbm>> -> memref<128x32xf32, #tpu.memory_space<hbm>>
      %dma_start3A_234 = arith.constant 0 : i32
      %dma_start3A_235 = tpu.memref_slice %arg4[%add3A_210, %dma_start3A_234] : memref<425984x32xf32, #tpu.memory_space<hbm>> -> memref<128x32xf32, #tpu.memory_space<hbm>>
      %dma_start3A_236 = arith.constant 0 : i32
      %dma_start3A_237 = arith.constant 0 : i32
      %dma_start3A_238 = tpu.memref_slice %arg6[%run_scoped3A_211, %dma_start3A_236, %dma_start3A_237] : memref<8x128x32xf32, #tpu.memory_space<vmem>> -> memref<1x128x32xf32, #tpu.memory_space<vmem>>
      %dma_start3A_239 = tpu.memref_squeeze %dma_start3A_238 : memref<1x128x32xf32, #tpu.memory_space<vmem>> -> memref<128x32xf32, #tpu.memory_space<vmem>>
      tpu.enqueue_dma source(%dma_start3A_239 : memref<128x32xf32, #tpu.memory_space<vmem>>) target(%dma_start3A_235 : memref<128x32xf32, #tpu.memory_space<hbm>>) target_semaphore(%run_scoped3A_227 : memref<!tpu.dma_semaphore, #tpu.memory_space<semaphore_mem>>)
      %dma_wait3A_240 = arith.constant 0 : i32
      %dma_wait3A_241 = arith.constant 0 : i32
      %dma_wait3A_242 = tpu.memref_slice %arg6[%run_scoped3A_211, %dma_wait3A_240, %dma_wait3A_241] : memref<8x128x32xf32, #tpu.memory_space<vmem>> -> memref<1x128x32xf32, #tpu.memory_space<vmem>>
      %dma_wait3A_243 = tpu.memref_squeeze %dma_wait3A_242 : memref<1x128x32xf32, #tpu.memory_space<vmem>> -> memref<128x32xf32, #tpu.memory_space<vmem>>
      %dma_wait3A_244 = arith.constant 0 : i32
      %dma_wait3A_245 = tpu.memref_slice %arg4[%add3A_210, %dma_wait3A_244] : memref<425984x32xf32, #tpu.memory_space<hbm>> -> memref<128x32xf32, #tpu.memory_space<hbm>>
      %dma_wait3A_246 = arith.constant 0 : i32
      %dma_wait3A_247 = tpu.memref_slice %arg4[%add3A_210, %dma_wait3A_246] : memref<425984x32xf32, #tpu.memory_space<hbm>> -> memref<128x32xf32, #tpu.memory_space<hbm>>
      %dma_wait3A_248 = arith.constant 0 : i32
      %dma_wait3A_249 = arith.constant 0 : i32
      %dma_wait3A_250 = tpu.memref_slice %arg6[%run_scoped3A_211, %dma_wait3A_248, %dma_wait3A_249] : memref<8x128x32xf32, #tpu.memory_space<vmem>> -> memref<1x128x32xf32, #tpu.memory_space<vmem>>
      %dma_wait3A_251 = tpu.memref_squeeze %dma_wait3A_250 : memref<1x128x32xf32, #tpu.memory_space<vmem>> -> memref<128x32xf32, #tpu.memory_space<vmem>>
      tpu.wait_dma2 semaphore(%run_scoped3A_227 : memref<!tpu.dma_semaphore, #tpu.memory_space<semaphore_mem>>) src(%dma_wait3A_251 : memref<128x32xf32, #tpu.memory_space<vmem>>) dst(%dma_wait3A_247 : memref<128x32xf32, #tpu.memory_space<hbm>>)
      tpu.yield
    }) : () -> ()
    %dma_wait3A_212 = arith.constant 103 : i32
    %dma_wait3A_213 = arith.constant 7 : i32
    %dma_wait3A_214 = arith.constant 0 : i32
    %dma_wait3A_215 = arith.constant 0 : i32
    %dma_wait3A_216 = tpu.memref_slice %arg6[%dma_wait3A_213, %dma_wait3A_214, %dma_wait3A_215] : memref<8x128x32xf32, #tpu.memory_space<vmem>> -> memref<1x128x32xf32, #tpu.memory_space<vmem>>
    %dma_wait3A_217 = tpu.memref_squeeze %dma_wait3A_216 : memref<1x128x32xf32, #tpu.memory_space<vmem>> -> memref<128x32xf32, #tpu.memory_space<vmem>>
    %dma_wait3A_218 = arith.constant 0 : i32
    %dma_wait3A_219 = tpu.memref_slice %arg5[%dma_wait3A_212, %dma_wait3A_218] : memref<104x128xi32, #tpu.memory_space<vmem>> -> memref<1x128xi32, #tpu.memory_space<vmem>>
    %dma_wait3A_220 = tpu.memref_squeeze %dma_wait3A_219 : memref<1x128xi32, #tpu.memory_space<vmem>> -> memref<128xi32, #tpu.memory_space<vmem>>
    %dma_wait3A_221 = arith.constant 0 : i32
    %dma_wait3A_222 = arith.constant 0 : i32
    %dma_wait3A_223 = tpu.memref_slice %arg3[%dma_wait3A_221, %dma_wait3A_222] : memref<1000000x32xf32, #tpu.memory_space<hbm>> -> memref<1000000x32xf32, #tpu.memory_space<hbm>>
    tpu.wait_indirect_dma semaphore(%arg14 : memref<!tpu.dma_semaphore, #tpu.memory_space<semaphore_mem>>) src(%dma_wait3A_223 : memref<1000000x32xf32, #tpu.memory_space<hbm>>) dst(%dma_wait3A_217 : memref<128x32xf32, #tpu.memory_space<vmem>>)
    %add3A_224 = arith.constant 13184 : i32
    %add3A_225 = arith.addi %mul3A_2, %add3A_224 : i32
    %run_scoped3A_226 = arith.constant 7 : i32
    "tpu.region"() ({
      %run_scoped3A_227 = tpu.sem_alloc : memref<!tpu.dma_semaphore, #tpu.memory_space<semaphore_mem>>
      %dma_start3A_228 = arith.constant 0 : i32
      %dma_start3A_229 = arith.constant 0 : i32
      %dma_start3A_230 = tpu.memref_slice %arg6[%run_scoped3A_226, %dma_start3A_228, %dma_start3A_229] : memref<8x128x32xf32, #tpu.memory_space<vmem>> -> memref<1x128x32xf32, #tpu.memory_space<vmem>>
      %dma_start3A_231 = tpu.memref_squeeze %dma_start3A_230 : memref<1x128x32xf32, #tpu.memory_space<vmem>> -> memref<128x32xf32, #tpu.memory_space<vmem>>
      %dma_start3A_232 = arith.constant 0 : i32
      %dma_start3A_233 = tpu.memref_slice %arg4[%add3A_225, %dma_start3A_232] : memref<425984x32xf32, #tpu.memory_space<hbm>> -> memref<128x32xf32, #tpu.memory_space<hbm>>
      %dma_start3A_234 = arith.constant 0 : i32
      %dma_start3A_235 = tpu.memref_slice %arg4[%add3A_225, %dma_start3A_234] : memref<425984x32xf32, #tpu.memory_space<hbm>> -> memref<128x32xf32, #tpu.memory_space<hbm>>
      %dma_start3A_236 = arith.constant 0 : i32
      %dma_start3A_237 = arith.constant 0 : i32
      %dma_start3A_238 = tpu.memref_slice %arg6[%run_scoped3A_226, %dma_start3A_236, %dma_start3A_237] : memref<8x128x32xf32, #tpu.memory_space<vmem>> -> memref<1x128x32xf32, #tpu.memory_space<vmem>>
      %dma_start3A_239 = tpu.memref_squeeze %dma_start3A_238 : memref<1x128x32xf32, #tpu.memory_space<vmem>> -> memref<128x32xf32, #tpu.memory_space<vmem>>
      tpu.enqueue_dma source(%dma_start3A_239 : memref<128x32xf32, #tpu.memory_space<vmem>>) target(%dma_start3A_235 : memref<128x32xf32, #tpu.memory_space<hbm>>) target_semaphore(%run_scoped3A_227 : memref<!tpu.dma_semaphore, #tpu.memory_space<semaphore_mem>>)
      %dma_wait3A_240 = arith.constant 0 : i32
      %dma_wait3A_241 = arith.constant 0 : i32
      %dma_wait3A_242 = tpu.memref_slice %arg6[%run_scoped3A_226, %dma_wait3A_240, %dma_wait3A_241] : memref<8x128x32xf32, #tpu.memory_space<vmem>> -> memref<1x128x32xf32, #tpu.memory_space<vmem>>
      %dma_wait3A_243 = tpu.memref_squeeze %dma_wait3A_242 : memref<1x128x32xf32, #tpu.memory_space<vmem>> -> memref<128x32xf32, #tpu.memory_space<vmem>>
      %dma_wait3A_244 = arith.constant 0 : i32
      %dma_wait3A_245 = tpu.memref_slice %arg4[%add3A_225, %dma_wait3A_244] : memref<425984x32xf32, #tpu.memory_space<hbm>> -> memref<128x32xf32, #tpu.memory_space<hbm>>
      %dma_wait3A_246 = arith.constant 0 : i32
      %dma_wait3A_247 = tpu.memref_slice %arg4[%add3A_225, %dma_wait3A_246] : memref<425984x32xf32, #tpu.memory_space<hbm>> -> memref<128x32xf32, #tpu.memory_space<hbm>>
      %dma_wait3A_248 = arith.constant 0 : i32
      %dma_wait3A_249 = arith.constant 0 : i32
      %dma_wait3A_250 = tpu.memref_slice %arg6[%run_scoped3A_226, %dma_wait3A_248, %dma_wait3A_249] : memref<8x128x32xf32, #tpu.memory_space<vmem>> -> memref<1x128x32xf32, #tpu.memory_space<vmem>>
      %dma_wait3A_251 = tpu.memref_squeeze %dma_wait3A_250 : memref<1x128x32xf32, #tpu.memory_space<vmem>> -> memref<128x32xf32, #tpu.memory_space<vmem>>
      tpu.wait_dma2 semaphore(%run_scoped3A_227 : memref<!tpu.dma_semaphore, #tpu.memory_space<semaphore_mem>>) src(%dma_wait3A_251 : memref<128x32xf32, #tpu.memory_space<vmem>>) dst(%dma_wait3A_247 : memref<128x32xf32, #tpu.memory_space<hbm>>)
      tpu.yield
    }) : () -> ()
    return
  }
}

</mosaic_0001>

<sc_bundles>
// kernel: kernel.3.cloned.1.call-start
scs
__scs_entry_jumppad:
0x0: {  	(pc) =	sbr.rel $0x88, $3  }
0x1: {  	(tag) =	ssettag $0x0;
	lr =	simm.s32 $0x1  }
0x2: {  	[smem:$0x3F9F] =	sst lr;
	_ =	strace $0xD0000000  }
0x3: {  	_ = 	snop  }
0x4: {  	_ = 	snop  }
0x5: {  	_ = 	snop  }
0x6: {  	_ = 	snop  }
0x7: {  	_ = 	snop  }
__scs_overlays_trampoline_lowered:
0x8: {  	[smem:$0x3FAE] =	sst s0  }
0x9: {  	[smem:$0x3FAF] =	sst s1  }
0xa: {  	[smem:$0x3FB0] =	sst s2  }
0xb: {  	[smem:$0x3FB1] =	sst s3  }
0xc: {  	[smem:$0x3FB2] =	sst s4  }
0xd: {  	[smem:$0x3FB3] =	sst s5  }
0xe: {  	[smem:$0x3FB4] =	sst s6  }
0xf: {  	[smem:$0x3FB5] =	sst s7  }
0x10: {  	[smem:$0x3FB6] =	sst s8  }
0x11: {  	[smem:$0x3FB7] =	sst s9;
	s0 =	simm.s32 @!p0 $0x0  }
0x12: {  	s1 =	sld [smem:$0x3F9D];
	s0 =	simm.s32 @p0 $0x1  }
0x13: {  	[smem:$0x3FB8] =	sst s0;
	s0 =	simm.s32 @!p1 $0x0  }
0x14: {  	s2 =	sld [smem:$0x3F9C];
	s0 =	simm.s32 @p1 $0x1  }
0x15: {  	[smem:$0x3FB9] =	sst s0;
	s0 =	simm.s32 @!p2 $0x0  }
0x16: {  	s3 =	sld [smem:$0x3FDB];
	s0 =	simm.s32 @p2 $0x1  }
0x17: {  	s4 =	simm.s32 $0x1BF5;
	[smem:$0x3FBB] =	sst s0  }
0x18: {  	s0 =	sld [smem:$0x3F9E];
	_ =	swait.ge [sflag:s4], $0x0  }
0x19: {  	s7 =	sld [smem:$0x3F9F]  }
0x1a: {  	s8 =	sadd.s32 $0xFFFFE003, lr  }
0x1b: {  	s9 =	sadd.s32 $0xFFFFFEF7, lr;
	s5 =	simm.s32 $0xFFFFFFFF;
	p2 =	slt.u32 s8, $0xFFFFF086  }
0x1c: {  	p1 =	slt.u32 s9, $0xF7A;
	s5 =	simm.s32 @!p2 $0x0  }
0x1d: {  	s5 =	simm.s32 @p1 $0x1;
	p0 =	seq.s32 s7, s2  }
0x1e: {  	s7 =	smul.u32 @!p0 $0xF7A, s2;
	p2 =	seq.s32 @!p0 s5, $0x0  }
0x1f: {  	s9 =	smul.u32 $0xF7A, s1;
	s8 =	simm.s32 @!p0 $0x1BF5;
	p2 =	por !p2, p0  }
0x20: {  	[sflag:s8] =	ssyncset.s32 @!p0 $0xFFFFF086;
	s6 =	sadd.s32 @!p0 s3, s7;
	s7 =	simm.s32 @!p0 $0x108  }
0x21: {  	s3 =	sadd.s32 s3, s9;
	s6 =	sadd.s32 @!p0 $0x88, s6;
	s7 =	simm.s32 @p2 $0x1082  }
0x22: {  	[simem:s7], [sflag:s8] =	dma.local @!p0 [hbm:s6], $0xF7A  }
0x23: {  	s9 =	sor.u32 $0xD0000000, s2;
	s6 =	simm.s32 $0x108;
	_ =	swait.ge @!p0 [sflag:s8], $0x0  }
0x24: {  	s3 =	sadd.s32 $0x88, s3;
	s6 =	simm.s32 @!p1 $0x1082;
	[sflag:s4] =	ssyncset.s32 $0xFFFFF086  }
0x25: {  	[simem:s6], [sflag:s4] =	dma.local [hbm:s3], $0xF7A  }
0x26: {  	[smem:$0x3F9F] =	sst s1;
	(tag) =	ssettag s2;
	_ =	strace s9  }
0x27: {  	s1 =	sld [smem:$0x3FAF]  }
0x28: {  	s2 =	sld [smem:$0x3FB0]  }
0x29: {  	s4 =	sld [smem:$0x3FB2]  }
0x2a: {  	p0 =	seq.s32 s5, $0x0;
	s5 =	sld [smem:$0x3FB3]  }
0x2b: {  	s6 =	sld [smem:$0x3FB4]  }
0x2c: {  	s7 =	sld [smem:$0x3FB5]  }
0x2d: {  	s3 =	simm.s32 $0x108;
	s8 =	sld [smem:$0x3FB6]  }
0x2e: {  	s3 =	simm.s32 @!p0 $0x1082;
	s9 =	sld [smem:$0x3FB7]  }
0x2f: {  	lr =	sadd.s32 s0, s3;
	s0 =	sld [smem:$0x3FAE]  }
0x30: {  	s3 =	sld [smem:$0x3FB1]  }
0x31: {  	[smem:$0x3FBA] =	sst s10  }
0x32: {  	s10 =	sld [smem:$0x3FB8];
	_ =	sdelay $0x3  }
0x33: {  	p0 =	seq.s32 s10, $0x1;
	s10 =	sld [smem:$0x3FBA];
	_ =	sdelay $0x3  }
0x34: {  	[smem:$0x3FBA] =	sst s10  }
0x35: {  	s10 =	sld [smem:$0x3FB9];
	_ =	sdelay $0x3  }
0x36: {  	p1 =	seq.s32 s10, $0x1;
	s10 =	sld [smem:$0x3FBA];
	_ =	sdelay $0x3  }
0x37: {  	[smem:$0x3FBA] =	sst s10  }
0x38: {  	s10 =	sld [smem:$0x3FBB]  }
0x39: {  	_ = 	snop;
	(pc) =	sbr.ind lr, $3  }
0x3a: {  	_ = 	snop  }
0x3b: {  	_ = 	snop  }
0x3c: {  	p2 =	seq.s32 s10, $0x1;
	s10 =	sld [smem:$0x3FBA]  }
0x3d: {  	_ =	shalt  }
0x3e: {  	_ =	shalt  }
0x3f: {  	_ =	shalt  }
0x40: {  	_ =	shalt  }
0x41: {  	_ =	shalt  }
0x42: {  	_ =	shalt  }
0x43: {  	_ =	shalt  }
0x44: {  	_ =	shalt  }
0x45: {  	_ =	shalt  }
0x46: {  	_ =	shalt  }
0x47: {  	_ =	shalt  }
0x48: {  	_ =	shalt  }
0x49: {  	_ =	shalt  }
0x4a: {  	_ =	shalt  }
0x4b: {  	_ =	shalt  }
0x4c: {  	_ =	shalt  }
0x4d: {  	_ =	shalt  }
0x4e: {  	_ =	shalt  }
0x4f: {  	_ =	shalt  }
0x50: {  	_ =	shalt  }
0x51: {  	_ =	shalt  }
0x52: {  	_ =	shalt  }
0x53: {  	_ =	shalt  }
0x54: {  	_ =	shalt  }
0x55: {  	_ =	shalt  }
0x56: {  	_ =	shalt  }
0x57: {  	_ =	shalt  }
0x58: {  	_ =	shalt  }
0x59: {  	_ =	shalt  }
0x5a: {  	_ =	shalt  }
0x5b: {  	_ =	shalt  }
0x5c: {  	_ =	shalt  }
0x5d: {  	_ =	shalt  }
0x5e: {  	_ =	shalt  }
0x5f: {  	_ =	shalt  }
0x60: {  	_ =	shalt  }
0x61: {  	_ =	shalt  }
0x62: {  	_ =	shalt  }
0x63: {  	_ =	shalt  }
0x64: {  	_ =	shalt  }
0x65: {  	_ =	shalt  }
0x66: {  	_ =	shalt  }
0x67: {  	_ =	shalt  }
0x68: {  	_ =	shalt  }
0x69: {  	_ =	shalt  }
0x6a: {  	_ =	shalt  }
0x6b: {  	_ =	shalt  }
0x6c: {  	_ =	shalt  }
0x6d: {  	_ =	shalt  }
0x6e: {  	_ =	shalt  }
0x6f: {  	_ =	shalt  }
0x70: {  	_ =	shalt  }
0x71: {  	_ =	shalt  }
0x72: {  	_ =	shalt  }
0x73: {  	_ =	shalt  }
0x74: {  	_ =	shalt  }
0x75: {  	_ =	shalt  }
0x76: {  	_ =	shalt  }
0x77: {  	_ =	shalt  }
0x78: {  	_ =	shalt  }
0x79: {  	_ =	shalt  }
0x7a: {  	_ =	shalt  }
0x7b: {  	_ =	shalt  }
0x7c: {  	_ =	shalt  }
0x7d: {  	_ =	shalt  }
0x7e: {  	_ =	shalt  }
0x7f: {  	_ =	shalt  }
0x80: {  	_ =	shalt  }
0x81: {  	_ =	shalt  }
0x82: {  	_ =	shalt  }
0x83: {  	_ =	shalt  }
0x84: {  	_ =	shalt  }
0x85: {  	_ =	shalt  }
0x86: {  	_ =	shalt  }
0x87: {  	_ =	shalt  }
.Lfunc_end0:
.L_simem_size_0:
called_computation.1_lowered:
.L_overlay_start_0:
0x88: {  	s2 =	sld [smem:$0x3FD9]  }
0x89: {  	s3 =	sld [smem:$0x3FFE];
	_ =	sdelay $0x1  }
0x8a: {  	s1 =	srdreg.scid  }
0x8b: {  	s0 =	sand.u32 $0x1, s1  }
0x8c: {  	s17 =	sshll.u32 s0, $0xA;
	s2 =	sadd.s32 s3, s2  }
0x8d: {  	s2 =	sadd.s32 s2, s17  }
0x8e: {  	[smem:$0x3FC6] =	sst s2  }
0x8f: {  	_ = 	snop  }
0x90: {  	s2 =	sld [smem:$0x3FD0];
	(tm) =	ssettm $0x1  }
0x91: {  	s18 =	sld [smem:$0x3FFB];
	_ =	sdelay $0x3  }
0x92: {  	_ =	strace s18  }
0x93: {  	s3 =	sld [smem:$0x3FFC];
	_ =	sdelay $0x3  }
0x94: {  	_ =	strace s3  }
0x95: {  	s3 =	sld [smem:$0x3FFD];
	_ =	sdelay $0x3  }
0x96: {  	_ =	strace s3  }
0x97: {  	_ =	strace $0x8FFFFFFF  }
0x98: {  	s19 =	sld [smem:$0x3FDB];
	_ =	sdelay $0x1  }
0x99: {  	s4 =	simm.s32 $_scs_section_size  }
0x9a: {  	s5 =	simm.s32 $_size__tile_overlayer_lowered;
	s6 =	simm.s32 $_tile_overlayer_lowered  }
0x9b: {  	s22 =	simm.s32 $0x1BFF;
	s21 =	sshll.u32 s6, $0x1;
	s3 =	sadd.s32 s4, s19  }
0x9c: {  	s7 =	simm.s32 $0x0;
	s20 =	sshll.u32 s5, $0x1;
	s5 =	sadd.s32 s21, s3  }
0x9d: {  	[timem:s7], [sflag:s22] =	dma.local [hbm:s5], s20  }
0x9e: {  	_ =	swait.ge [sflag:s22], s20  }
0x9f: {  	s4 =	ssub.s32 $0x0, s20;
	[sflag:s22] =	ssyncset.done $0x0  }
0xa0: {  	[sflag:s22] =	ssyncadd.s32 s4;
	_ =	sdelay $0x1  }
0xa1: {  	s23 =	simm.s32 $0x1B8B  }
0xa2: {  	_ =	swait.ge [sflag:s23], $0x1  }
0xa3: {  	[sflag:s23] =	ssyncset.done $0x0  }
0xa4: {  	s25 =	simm.s32 $0x1B8E;
	s24 =	sld [smem:$0x3FFE];
	[sflag:s23] =	ssyncadd.s32 $0xFFFFFFFF  }
0xa5: {  	s26 =	simm.s32 $execute0_lowered;
	[smem:$0x3FD2] =	sst s25  }
0xa6: {  	s5 =	sshll.u32 s26, $0x1;
	_ =	strace $0x80000046;
	[dreg:$0x1] =	wrdreg $0xFFFFFFFF  }
0xa7: {  	s28 =	simm.s32 $_size_execute0_lowered;
	s3 =	sadd.s32 s3, s5;
	[dreg:$0x0] =	wrdreg $0x0  }
0xa8: {  	s5 =	sshll.u32 s28, $0x1;
	[dreg:$0x2] =	wrdreg s3  }
0xa9: {  	[dreg:$0x3] =	wrdreg s5  }
0xaa: {  	[dreg:$0x4] =	wrdreg $0xC0  }
0xab: {  	_ =	task [dreg:s7], $0x5FFFF  }
0xac: {  	[dreg:$0x1] =	wrdreg $0xFFFFFFFF  }
0xad: {  	[dreg:$0x0] =	wrdreg $0x60  }
0xae: {  	[dreg:$0x2] =	wrdreg s24  }
0xaf: {  	[dreg:$0x3] =	wrdreg s2  }
0xb0: {  	[dreg:$0x4] =	wrdreg $0x9  }
0xb1: {  	_ =	task.clear_ibuf [dreg:s7], $0x5FFFF;
	_ =	strace $0x90000046  }
0xb2: {  	s29 =	simm.s32 $0x9;
	_ =	strace $0x80000048  }
0xb3: {  	_ =	swait.ge [sflag:s29], $0x1  }
0xb4: {  	[sflag:s29] =	ssyncadd.s32 $0xFFFFFFFF  }
0xb5: {  	_ =	strace $0x90000048  }
0xb6: {  	_ =	sfence  }
0xb7: {  	s30 =	sld [smem:$0x0];
	_ =	sdelay $0x2  }
0xb8: {  	s31 =	sshll.u32 s1, $0xD;
	s1 =	sshrl.u32 s1, $0x2  }
0xb9: {  	s3 =	sand.u32 $0x4000, s31;
	s1 =	sadd.s32 s1, s30  }
0xba: {  	s0 =	sor.u32 s3, s0;
	s1 =	sshll.u32 s1, $0x11  }
0xbb: {  	s0 =	sor.u32 s1, s0  }
0xbc: {  	s0 =	sadd.s32 $0x8F2B, s0  }
0xbd: {  	[sflag:s0] =	ssyncadd.remote.s32 $0x1  }
0xbe: {  	_ =	sfence.sel $0xFFFF  }
0xbf: {  	[dreg:$0x0] =	wrdreg $0xFFFFFFFF;
	(pc) =	sbr.abs _section_cstart, $3  }
0xc0: {  	[dreg:$0x1] =	wrdreg $0xFFFFFFFF  }
0xc1: {  	_ =	task.clear_ibuf [dreg:s7], $0x2FFFF;
	_ =	strace $0x9FFFFFFF  }
0xc2: {  	(tm) =	ssettm $0x7FFFFFFF  }
0xc3: {  	_ =	shalt  }
tec
execute0_lowered:
.L_overlay_start_1:
0x0: {  	(tag) =	ssettag $0x1  }
0x1: {  	s0 =	srdreg.scid  }
0x2: {  	s9 =	stileid.u32;
	s3 =	rddreg [dreg:$0x0]  }
0x3: {  	s4 =	rddreg [dreg:$0x1];
	s2 =	simm.s32 $0x0;
	s14 =	simm.s32 $0x9  }
0x4: {  	s15 =	simm.s32 $0x80;
	s16 =	simm.s32 $0x3400;
	s28 =	simm.s32 $0x9400  }
0x5: {  	s30 =	simm.s32 $0xA400;
	s31 =	simm.s32 $0x1;
	s6 =	smul.u32 $0xD0000, s9  }
0x6: {  	s0 =	sand.u32 $0x1, s0;
	s1 =	sshll.u32 s9, $0x1;
	s9 =	smul.u32 $0x6800, s9  }
0x7: {  	s29 =	simm.s32 $0x0;
	s1 =	sor.u32 s0, s1;
	s7 =	smul.u32 $0x68000, s0  }
0x8: {  	[smem:$0x7FF] =	sst s2;
	s8 =	ssub.s32 $0x2, s0;
	s5 =	smul.u32 $0x3400, s1  }
0x9: {  	_ =	strace $0x80000047;
	s1 =	smul.u32 $0x68000, s1;
	s10 =	sshrl.u32 s8, $0x1  }
0xa: {  	s0 =	smul.u32 $0x3400, s0;
	s13 =	ssub.s32 s8, s10;
	s5 =	sshrl.u32 s5, $0x3  }
0xb: {  	s17 =	sadd.s32 s7, s6;
	s1 =	sshrl.u32 s1, $0x3;
	s5 =	sadd.s32 s5, s3  }
0xc: {  	s0 =	sadd.s32 s0, s9;
	s1 =	sadd.s32 s4, s1;
	s5 =	sadd.s32 $0xA00, s5  }
0xd: {  	s0 =	sshll.u32 s0, $0x2;
	s18 =	sadd.s32 $0xC000, s1;
	[dreg:$0xb] =	wrdreg s5  }
0xe: {  	s13 =	smax.u32 s13, $0x1;
	s19 =	sadd.s32 $0xC200, s1;
	[dreg:$0xc] =	wrdreg s18  }
0xf: {  	s0 =	sadd.s32 s0, s4;
	s21 =	sadd.s32 $0xC400, s1;
	[dreg:$0xd] =	wrdreg s19  }
0x10: {  	s3 =	sadd.s32 $0xF42E00, s3;
	s20 =	sadd.s32 $0xE00, s0;
	[dreg:$0xe] =	wrdreg s21  }
0x11: {  	s22 =	sadd.s32 $0xC00, s0;
	s8 =	sadd.s32 $0xC600, s1;
	[dreg:$0x4] =	wrdreg s20  }
0x12: {  	s23 =	sadd.s32 $0xA00, s0;
	s9 =	sadd.s32 $0xC800, s1;
	[dreg:$0x5] =	wrdreg s22  }
0x13: {  	s24 =	sadd.s32 $0x800, s0;
	s10 =	sadd.s32 $0xCA00, s1;
	[dreg:$0x6] =	wrdreg s23  }
0x14: {  	s25 =	sadd.s32 $0x600, s0;
	s11 =	sadd.s32 $0xCC00, s1;
	[dreg:$0x7] =	wrdreg s24  }
0x15: {  	s26 =	sadd.s32 $0x400, s0;
	s12 =	sadd.s32 $0xCE00, s1;
	[dreg:$0x8] =	wrdreg s25  }
0x16: {  	s0 =	sadd.s32 $0x200, s0;
	s1 =	simm.s32 $0x2;
	[dreg:$0x9] =	wrdreg s26  }
0x17: {  	s5 =	sshrl.u32 s17, $0x3;
	[dreg:$0xa] =	wrdreg s0;
	s17 =	simm.s32 $0x4400  }
0x18: {  	s19 =	simm.s32 $0x5400;
	s21 =	simm.s32 $0x6400;
	s23 =	simm.s32 $0x7400  }
0x19: {  	s25 =	simm.s32 $0x8400;
	s0 =	simm.s32 $0x3;
	s18 =	simm.s32 $0x4  }
0x1a: {  	s20 =	simm.s32 $0x5;
	s22 =	simm.s32 $0x6;
	s5 =	sadd.s32 s5, s4  }
0x1b: {  	s24 =	simm.s32 $0x7;
	s26 =	simm.s32 $0x8;
	[dreg:$0x3] =	wrdreg s5  }
.LBB2_1:
0x1c: {  	s4 =	rddreg [dreg:$0xb]  }
0x1d: {  	[tilespmem:s2], [sflag:$0x9] =	stream.linear.gather [hbm4b:s4+s2], $0x3400, $0x38;
	[tilespmem:$0xB400] =	vst v63  }
0x1e: {  	_ =	swait.ge [sflag:s14], $0x3400  }
0x1f: {  	[sflag:s14] =	ssyncset.done $0x0  }
0x20: {  	s4 =	simm.s32 $0x0;
	[sflag:s14] =	ssyncadd.s32 $0xFFFFCC00  }
0x21: {  	v0 =	vld [tilespmem:s4+$0x70];
	_ =	sdelay $0x1  }
0x22: {  	v1 =	vld [tilespmem:s4+$0x60];
	_ =	sdelay $0x2  }
0x23: {  	v0 =	vmul.u32 $0x9E3779B1, v0;
	_ =	sdelay $0x1  }
0x24: {  	v1 =	vmul.u32 $0x9E3779B1, v1;
	v2 =	vcvt.s32.f32 v0  }
0x25: {  	v3 =	vld [tilespmem:s4+$0x0]  }
0x26: {  	v6 =	vld [tilespmem:s4+$0x50];
	v5 =	vcvt.s32.f32 v1;
	v4 =	vadd.f32 $4.294967300e+09, v2  }
0x27: {  	vm0 =	vlt.s32 v0, $0x0  }
0x28: {  	v7 =	vadd.f32 $4.294967300e+09, v5;
	v2 =	vsel vm0, v4, v2;
	v4 =	vld [tilespmem:s4+$0x10]  }
0x29: {  	vm0 =	vlt.s32 v1, $0x0;
	v2 =	vmul.f32 $9.999999970e-07, v2  }
0x2a: {  	v8 =	vmul.u32 $0x9E3779B1, v3;
	v3 =	vsel vm0, v7, v5  }
0x2b: {  	v7 =	vmul.u32 $0x9E3779B1, v6;
	v3 =	vmul.f32 $9.999999970e-07, v3;
	v2 =	vtrunc.f32 v2  }
0x2c: {  	v5 =	vcvt.s32.f32 v8;
	vm0 =	vlt.s32 v8, $0x0;
	v6 =	vld [tilespmem:s4+$0x20];
	v2 =	vcvt.f32.s32 v2  }
0x2d: {  	vm1 =	vlt.s32 v7, $0x0;
	v3 =	vtrunc.f32 v3;
	v10 =	vmul.u32 $0x9E3779B1, v4  }
0x2e: {  	v11 =	vld [tilespmem:s4+$0x40];
	v4 =	vadd.f32 $4.294967300e+09, v5;
	v3 =	vcvt.f32.s32 v3;
	v2 =	vmul.u32 $0xFFF0BDC0, v2  }
0x2f: {  	v12 =	vcvt.s32.f32 v7;
	vm2 =	vlt.s32 v10, $0x0;
	v9 =	vcvt.s32.f32 v10  }
0x30: {  	v4 =	vsel vm0, v4, v5;
	v3 =	vmul.u32 $0xFFF0BDC0, v3;
	v0 =	vadd.s32 v0, v2  }
0x31: {  	v2 =	vmul.u32 $0x9E3779B1, v6;
	v4 =	vmul.f32 $9.999999970e-07, v4;
	vm0 =	vlt.s32 v0, $0x0  }
0x32: {  	v5 =	vadd.f32 $4.294967300e+09, v9;
	v6 =	vadd.s32 $0xF4240, v0;
	v1 =	vadd.s32 v1, v3  }
0x33: {  	v3 =	vsel vm0, v6, v0;
	v6 =	vcvt.s32.f32 v2;
	v0 =	vmul.u32 $0x9E3779B1, v11  }
0x34: {  	v11 =	vadd.f32 $4.294967300e+09, v12;
	vm0 =	vlt.s32 v1, $0x0;
	v4 =	vtrunc.f32 v4  }
0x35: {  	v5 =	vsel vm2, v5, v9;
	v9 =	vadd.s32 $0xF4240, v1;
	v13 =	vadd.s32 $0xFFF0BDC0, v3  }
0x36: {  	vm2 =	vgt.s32 v3, $0xF423F;
	v4 =	vcvt.f32.s32 v4;
	v5 =	vmul.f32 $9.999999970e-07, v5  }
0x37: {  	v14 =	vcvt.s32.f32 v0;
	v11 =	vsel vm1, v11, v12;
	v60 =	vadd.f32 $4.294967300e+09, v6  }
0x38: {  	vm1 =	vlt.s32 v0, $0x0;
	v1 =	vsel vm0, v9, v1;
	vm0 =	vlt.s32 v2, $0x0;
	v9 =	vld [tilespmem:s4+$0x30]  }
0x39: {  	v13 =	vsel vm2, v13, v3;
	vm3 =	vgt.s32 v1, $0xF423F;
	v11 =	vmul.f32 $9.999999970e-07, v11  }
0x3a: {  	v3 =	vadd.s32 $0xFFF0BDC0, v1;
	v4 =	vmul.u32 $0xFFF0BDC0, v4;
	v5 =	vtrunc.f32 v5  }
0x3b: {  	v6 =	vsel vm0, v60, v6;
	v61 =	vadd.f32 $4.294967300e+09, v14;
	v62 =	vsel vm3, v3, v1  }
0x3c: {  	v6 =	vmul.f32 $9.999999970e-07, v6;
	v5 =	vcvt.f32.s32 v5;
	v4 =	vadd.s32 v8, v4  }
0x3d: {  	v12 =	vsel vm1, v61, v14;
	vm0 =	vlt.s32 v4, $0x0;
	v1 =	vmul.u32 $0x9E3779B1, v9  }
0x3e: {  	v3 =	vmul.f32 $9.999999970e-07, v12;
	v9 =	vtrunc.f32 v11;
	v5 =	vmul.u32 $0xFFF0BDC0, v5  }
0x3f: {  	v11 =	vadd.s32 $0xF4240, v4;
	v8 =	vcvt.f32.s32 v9;
	v9 =	vtrunc.f32 v6  }
0x40: {  	v4 =	vsel vm0, v11, v4;
	v6 =	vcvt.s32.f32 v1;
	v63 =	vcvt.f32.s32 v9  }
0x41: {  	vm0 =	vlt.s32 v1, $0x0;
	vm1 =	vgt.s32 v4, $0xF423F;
	v8 =	vmul.u32 $0xFFF0BDC0, v8  }
0x42: {  	[tilespmem:s4+$0x70] =	vst v13;
	v11 =	vadd.s32 $0xFFF0BDC0, v4;
	v5 =	vadd.s32 v10, v5;
	v9 =	vadd.f32 $4.294967300e+09, v6  }
0x43: {  	s5 =	simm.s32 $0x200;
	[tilespmem:s4+$0x60] =	vst v62;
	v4 =	vsel vm1, v11, v4;
	v7 =	vadd.s32 v7, v8;
	v8 =	vmul.u32 $0xFFF0BDC0, v63  }
.LBB2_2:
0x44: {  	s6 =	sshra.s32 s5, $0x2;
	p0 =	sne.s32 s5, $0xCE00;
	s5 =	sadd.s32 $0x200, s5;
	v6 =	vsel vm0, v9, v6;
	v3 =	vtrunc.f32 v3;
	v9 =	vadd.s32 $0xF4240, v7  }
0x45: {  	vm0 =	vlt.s32 v5, $0x0;
	vm1 =	vlt.s32 v7, $0x0;
	v10 =	vld [tilespmem:s6+$0x70];
	v6 =	vmul.f32 $9.999999970e-07, v6  }
0x46: {  	v2 =	vadd.s32 v2, v8;
	v7 =	vsel vm1, v9, v7;
	v11 =	vld [tilespmem:s6+$0x60];
	[tilespmem:s4+$0x0] =	vst v4;
	v4 =	vadd.s32 $0xF4240, v5  }
0x47: {  	vm1 =	vlt.s32 v2, $0x0;
	vm2 =	vgt.s32 v7, $0xF423F;
	v9 =	vadd.s32 $0xFFF0BDC0, v7;
	v8 =	vld [tilespmem:s6+$0x0]  }
0x48: {  	v4 =	vsel vm0, v4, v5;
	v5 =	vadd.s32 $0xF4240, v2;
	v7 =	vsel vm2, v9, v7  }
0x49: {  	v6 =	vtrunc.f32 v6;
	vm0 =	vgt.s32 v4, $0xF423F;
	v9 =	vadd.s32 $0xFFF0BDC0, v4  }
0x4a: {  	v3 =	vcvt.f32.s32 v3;
	v6 =	vcvt.f32.s32 v6;
	v4 =	vsel vm0, v9, v4;
	[tilespmem:s4+$0x50] =	vst v7  }
0x4b: {  	v2 =	vsel vm1, v5, v2;
	[tilespmem:s4+$0x10] =	vst v4  }
0x4c: {  	v3 =	vmul.u32 $0xFFF0BDC0, v3;
	v5 =	vmul.u32 $0x9E3779B1, v10;
	v4 =	vmul.u32 $0x9E3779B1, v11  }
0x4d: {  	v6 =	vmul.u32 $0xFFF0BDC0, v6;
	v7 =	vmul.u32 $0x9E3779B1, v8;
	v8 =	vadd.s32 $0xFFF0BDC0, v2  }
0x4e: {  	vm0 =	vgt.s32 v2, $0xF423F;
	v0 =	vadd.s32 v0, v3;
	v10 =	vcvt.s32.f32 v5;
	v9 =	vld [tilespmem:s6+$0x10]  }
0x4f: {  	v13 =	vadd.s32 $0xF4240, v0;
	v12 =	vcvt.s32.f32 v4;
	v3 =	vcvt.s32.f32 v7;
	v11 =	vld [tilespmem:s6+$0x50]  }
0x50: {  	vm2 =	vlt.s32 v0, $0x0;
	vm1 =	vlt.s32 v7, $0x0;
	v14 =	vadd.f32 $4.294967300e+09, v10  }
0x51: {  	v0 =	vsel vm2, v13, v0;
	vm3 =	vlt.s32 v5, $0x0;
	v15 =	vadd.f32 $4.294967300e+09, v12  }
0x52: {  	vm2 =	vlt.s32 v4, $0x0;
	v10 =	vsel vm3, v14, v10;
	vm3 =	vgt.s32 v0, $0xF423F  }
0x53: {  	v2 =	vsel vm0, v8, v2;
	v12 =	vsel vm2, v15, v12;
	v10 =	vmul.f32 $9.999999970e-07, v10  }
0x54: {  	v8 =	vmul.u32 $0x9E3779B1, v11;
	v11 =	vmul.f32 $9.999999970e-07, v12;
	[tilespmem:s4+$0x20] =	vst v2;
	v2 =	vadd.s32 $0xFFF0BDC0, v0  }
0x55: {  	v1 =	vadd.s32 v1, v6;
	v10 =	vtrunc.f32 v10;
	v12 =	vadd.f32 $4.294967300e+09, v3  }
0x56: {  	vm2 =	vlt.s32 v1, $0x0;
	v13 =	vmul.u32 $0x9E3779B1, v9;
	v9 =	vcvt.f32.s32 v10;
	v6 =	vld [tilespmem:s6+$0x20]  }
0x57: {  	vm0 =	vlt.s32 v8, $0x0;
	v10 =	vtrunc.f32 v11;
	v11 =	vadd.s32 $0xF4240, v1  }
0x58: {  	vm4 =	vlt.s32 v13, $0x0;
	v9 =	vmul.u32 $0xFFF0BDC0, v9;
	v1 =	vsel vm2, v11, v1  }
0x59: {  	v0 =	vsel vm3, v2, v0;
	v11 =	vcvt.s32.f32 v13;
	v10 =	vcvt.f32.s32 v10  }
0x5a: {  	v3 =	vsel vm1, v12, v3;
	v5 =	vadd.s32 v5, v9;
	vm1 =	vgt.s32 v1, $0xF423F;
	[tilespmem:s4+$0x40] =	vst v0  }
0x5b: {  	v2 =	vadd.s32 $0xFFF0BDC0, v1;
	v9 =	vmul.u32 $0xFFF0BDC0, v10;
	vm2 =	vlt.s32 v5, $0x0;
	v0 =	vld [tilespmem:s6+$0x40]  }
0x5c: {  	v12 =	vcvt.s32.f32 v8;
	v10 =	vadd.f32 $4.294967300e+09, v11;
	v1 =	vsel vm1, v2, v1  }
0x5d: {  	v2 =	vmul.u32 $0x9E3779B1, v6;
	v6 =	vadd.s32 $0xF4240, v5;
	[tilespmem:s4+$0x30] =	vst v1;
	s4 =	smov.u32 s6  }
0x5e: {  	v1 =	vadd.s32 v4, v9;
	v4 =	vsel vm2, v6, v5  }
0x5f: {  	v5 =	vsel vm4, v10, v11;
	v6 =	vcvt.s32.f32 v2;
	v9 =	vadd.s32 $0xF4240, v1  }
0x60: {  	v10 =	vadd.f32 $4.294967300e+09, v12;
	v11 =	vadd.s32 $0xFFF0BDC0, v4;
	v0 =	vmul.u32 $0x9E3779B1, v0  }
0x61: {  	v5 =	vmul.f32 $9.999999970e-07, v5;
	vm1 =	vlt.s32 v1, $0x0;
	vm2 =	vgt.s32 v4, $0xF423F  }
0x62: {  	v3 =	vmul.f32 $9.999999970e-07, v3;
	v10 =	vsel vm0, v10, v12;
	v14 =	vcvt.s32.f32 v0  }
0x63: {  	v12 =	vadd.f32 $4.294967300e+09, v6;
	v1 =	vsel vm1, v9, v1;
	vm0 =	vlt.s32 v0, $0x0  }
0x64: {  	vm1 =	vlt.s32 v2, $0x0;
	v5 =	vtrunc.f32 v5;
	vm3 =	vgt.s32 v1, $0xF423F;
	v9 =	vld [tilespmem:s4+$0x30]  }
0x65: {  	v3 =	vtrunc.f32 v3;
	v6 =	vsel vm1, v12, v6;
	v12 =	vadd.f32 $4.294967300e+09, v14  }
0x66: {  	v3 =	vcvt.f32.s32 v3;
	v4 =	vsel vm2, v11, v4;
	v6 =	vmul.f32 $9.999999970e-07, v6  }
0x67: {  	v10 =	vmul.f32 $9.999999970e-07, v10;
	v11 =	vadd.s32 $0xFFF0BDC0, v1;
	v5 =	vcvt.f32.s32 v5;
	[tilespmem:s4+$0x70] =	vst v4  }
0x68: {  	v11 =	vsel vm3, v11, v1;
	v4 =	vmul.u32 $0xFFF0BDC0, v3;
	v3 =	vsel vm0, v12, v14  }
0x69: {  	v3 =	vmul.f32 $9.999999970e-07, v3;
	v1 =	vmul.u32 $0x9E3779B1, v9;
	v9 =	vtrunc.f32 v10;
	[tilespmem:s4+$0x60] =	vst v11  }
0x6a: {  	v5 =	vmul.u32 $0xFFF0BDC0, v5;
	v4 =	vadd.s32 v7, v4;
	v7 =	vcvt.f32.s32 v9  }
.Ltmp0:
0x6b: {  	vm0 =	vlt.s32 v4, $0x0;
	v9 =	vtrunc.f32 v6;
	v6 =	vcvt.s32.f32 v1;
	(pc) =	sbr.rel @p0 .LBB2_2-.Ltmp0, $4  }
0x6c: {  	v10 =	vadd.s32 $0xF4240, v4;
	v11 =	vcvt.f32.s32 v9;
	v7 =	vmul.u32 $0xFFF0BDC0, v7  }
0x6d: {  	v4 =	vsel vm0, v10, v4;
	vm0 =	vlt.s32 v1, $0x0;
	v9 =	vadd.f32 $4.294967300e+09, v6  }
0x6e: {  	vm1 =	vgt.s32 v4, $0xF423F;
	v10 =	vadd.s32 $0xFFF0BDC0, v4;
	v7 =	vadd.s32 v8, v7  }
0x6f: {  	v5 =	vadd.s32 v13, v5;
	v4 =	vsel vm1, v10, v4;
	v8 =	vmul.u32 $0xFFF0BDC0, v11  }
0x70: {  	v6 =	vsel vm0, v9, v6  }
0x71: {  	v3 =	vtrunc.f32 v3;
	v53 =	vadd.s32 $0xF4240, v7;
	vm11 =	vlt.s32 v7, $0x0  }
0x72: {  	vm1 =	vlt.s32 v5, $0x0;
	v54 =	vadd.s32 $0xF4240, v5;
	v6 =	vmul.f32 $9.999999970e-07, v6  }
0x73: {  	v7 =	vsel vm11, v53, v7;
	v2 =	vadd.s32 v2, v8;
	v5 =	vsel vm1, v54, v5  }
0x74: {  	v3 =	vcvt.f32.s32 v3;
	vm0 =	vgt.s32 v7, $0xF423F;
	v55 =	vadd.s32 $0xFFF0BDC0, v7  }
0x75: {  	vm12 =	vgt.s32 v5, $0xF423F;
	v56 =	vadd.s32 $0xFFF0BDC0, v5;
	v6 =	vtrunc.f32 v6  }
0x76: {  	vm13 =	vlt.s32 v2, $0x0;
	v57 =	vadd.s32 $0xF4240, v2;
	v6 =	vcvt.f32.s32 v6  }
0x77: {  	v7 =	vsel vm0, v55, v7;
	v3 =	vmul.u32 $0xFFF0BDC0, v3;
	v2 =	vsel vm13, v57, v2  }
0x78: {  	v58 =	vadd.s32 $0xFFF0BDC0, v2;
	vm1 =	vgt.s32 v2, $0xF423F;
	v6 =	vmul.u32 $0xFFF0BDC0, v6  }
0x79: {  	v5 =	vsel vm12, v56, v5;
	v0 =	vadd.s32 v0, v3;
	v2 =	vsel vm1, v58, v2  }
0x7a: {  	[tilespmem:s4+$0x0] =	vst v4;
	v59 =	vadd.s32 $0xF4240, v0;
	vm14 =	vlt.s32 v0, $0x0;
	v1 =	vadd.s32 v1, v6  }
0x7b: {  	[tilespmem:s4+$0x50] =	vst v7;
	v0 =	vsel vm14, v59, v0;
	vm2 =	vlt.s32 v1, $0x0;
	v60 =	vadd.s32 $0xF4240, v1  }
0x7c: {  	[tilespmem:s4+$0x10] =	vst v5;
	vm0 =	vgt.s32 v0, $0xF423F;
	v61 =	vadd.s32 $0xFFF0BDC0, v0;
	v1 =	vsel vm2, v60, v1  }
0x7d: {  	[tilespmem:s4+$0x20] =	vst v2;
	v0 =	vsel vm0, v61, v0;
	vm15 =	vgt.s32 v1, $0xF423F;
	v62 =	vadd.s32 $0xFFF0BDC0, v1  }
0x7e: {  	[tilespmem:s4+$0x40] =	vst v0;
	v63 =	vsel vm15, v62, v1  }
0x7f: {  	s7 =	simm.s32 $0x0;
	[tilespmem:s4+$0x30] =	vst v63  }
0x80: {  	[tilespmem:s16], [sflag:$0x1] =	stream.indirect.gather [hbm4b:s3+s15], $0x20, s7, s15, $0xb8;
	[tilespmem:$0xB400] =	vst v63  }
0x81: {  	_ = 	snop  }
0x82: {  	[tilespmem:s17], [sflag:$0x2] =	stream.indirect.gather [hbm4b:s3+s15], $0x20, s15, s15, $0xb8;
	[tilespmem:$0xB400] =	vst v63  }
0x83: {  	s5 =	simm.s32 $0x100  }
0x84: {  	[tilespmem:s19], [sflag:$0x3] =	stream.indirect.gather [hbm4b:s3+s15], $0x20, s5, s15, $0xb8;
	[tilespmem:$0xB400] =	vst v63  }
0x85: {  	s6 =	simm.s32 $0x180  }
0x86: {  	[tilespmem:s21], [sflag:$0x4] =	stream.indirect.gather [hbm4b:s3+s15], $0x20, s6, s15, $0xb8;
	[tilespmem:$0xB400] =	vst v63  }
0x87: {  	s7 =	simm.s32 $0x200  }
0x88: {  	[tilespmem:s23], [sflag:$0x5] =	stream.indirect.gather [hbm4b:s3+s15], $0x20, s7, s15, $0xb8;
	[tilespmem:$0xB400] =	vst v63  }
0x89: {  	s5 =	simm.s32 $0x280  }
0x8a: {  	[tilespmem:s25], [sflag:$0x6] =	stream.indirect.gather [hbm4b:s3+s15], $0x20, s5, s15, $0xb8;
	[tilespmem:$0xB400] =	vst v63  }
0x8b: {  	s6 =	simm.s32 $0x300  }
0x8c: {  	[tilespmem:s28], [sflag:$0x7] =	stream.indirect.gather [hbm4b:s3+s15], $0x20, s6, s15, $0xb8;
	[tilespmem:$0xB400] =	vst v63  }
0x8d: {  	s7 =	simm.s32 $0x380  }
0x8e: {  	[tilespmem:s30], [sflag:$0x8] =	stream.indirect.gather [hbm4b:s3+s15], $0x20, s7, s15, $0xb8;
	[tilespmem:$0xB400] =	vst v63  }
0x8f: {  	_ =	swait.ge [sflag:s31], $0x1000  }
0x90: {  	s5 =	rddreg [dreg:$0x3];
	[sflag:s31] =	ssyncset.done $0x0  }
0x91: {  	[sflag:s31] =	ssyncadd.s32 $0xFFFFF000;
	s4 =	sadd.s32 $0x0, s5  }
0x92: {  	[hbm4b:s4+s2] =	stream.linear.scatter [tilespmem:s16], [sflag:$0x9], $0x1000, $0x38;
	[tilespmem:$0xB400] =	vst v63  }
0x93: {  	_ =	swait.ge [sflag:s14], $0x1000  }
0x94: {  	[sflag:s14] =	ssyncset.done $0x0  }
0x95: {  	s6 =	simm.s32 $0x400;
	[sflag:s14] =	ssyncadd.s32 $0xFFFFF000  }
0x96: {  	[tilespmem:s16], [sflag:$0x1] =	stream.indirect.gather [hbm4b:s3+s15], $0x20, s6, s15, $0xb8;
	[tilespmem:$0xB400] =	vst v63  }
0x97: {  	_ =	swait.ge [sflag:s1], $0x1000  }
0x98: {  	s7 =	rddreg [dreg:$0xa];
	[sflag:s1] =	ssyncset.done $0x0  }
0x99: {  	[sflag:s1] =	ssyncadd.s32 $0xFFFFF000;
	s4 =	sadd.s32 $0x0, s7  }
0x9a: {  	[hbm4b:s4+s2] =	stream.linear.scatter [tilespmem:s17], [sflag:$0x9], $0x1000, $0x38;
	[tilespmem:$0xB400] =	vst v63  }
0x9b: {  	_ =	swait.ge [sflag:s14], $0x1000  }
0x9c: {  	[sflag:s14] =	ssyncset.done $0x0  }
0x9d: {  	s5 =	simm.s32 $0x480;
	[sflag:s14] =	ssyncadd.s32 $0xFFFFF000  }
0x9e: {  	[tilespmem:s17], [sflag:$0x2] =	stream.indirect.gather [hbm4b:s3+s15], $0x20, s5, s15, $0xb8;
	[tilespmem:$0xB400] =	vst v63  }
0x9f: {  	_ =	swait.ge [sflag:s0], $0x1000  }
0xa0: {  	s6 =	rddreg [dreg:$0x9];
	[sflag:s0] =	ssyncset.done $0x0  }
0xa1: {  	[sflag:s0] =	ssyncadd.s32 $0xFFFFF000;
	s4 =	sadd.s32 $0x0, s6  }
0xa2: {  	[hbm4b:s4+s2] =	stream.linear.scatter [tilespmem:s19], [sflag:$0x9], $0x1000, $0x38;
	[tilespmem:$0xB400] =	vst v63  }
0xa3: {  	_ =	swait.ge [sflag:s14], $0x1000  }
0xa4: {  	[sflag:s14] =	ssyncset.done $0x0  }
0xa5: {  	s7 =	simm.s32 $0x500;
	[sflag:s14] =	ssyncadd.s32 $0xFFFFF000  }
0xa6: {  	[tilespmem:s19], [sflag:$0x3] =	stream.indirect.gather [hbm4b:s3+s15], $0x20, s7, s15, $0xb8;
	[tilespmem:$0xB400] =	vst v63  }
0xa7: {  	_ =	swait.ge [sflag:s18], $0x1000  }
0xa8: {  	s5 =	rddreg [dreg:$0x8];
	[sflag:s18] =	ssyncset.done $0x0  }
0xa9: {  	[sflag:s18] =	ssyncadd.s32 $0xFFFFF000;
	s4 =	sadd.s32 $0x0, s5  }
0xaa: {  	[hbm4b:s4+s2] =	stream.linear.scatter [tilespmem:s21], [sflag:$0x9], $0x1000, $0x38;
	[tilespmem:$0xB400] =	vst v63  }
0xab: {  	_ =	swait.ge [sflag:s14], $0x1000  }
0xac: {  	[sflag:s14] =	ssyncset.done $0x0  }
0xad: {  	s6 =	simm.s32 $0x580;
	[sflag:s14] =	ssyncadd.s32 $0xFFFFF000  }
0xae: {  	[tilespmem:s21], [sflag:$0x4] =	stream.indirect.gather [hbm4b:s3+s15], $0x20, s6, s15, $0xb8;
	[tilespmem:$0xB400] =	vst v63  }
0xaf: {  	_ =	swait.ge [sflag:s20], $0x1000  }
0xb0: {  	s7 =	rddreg [dreg:$0x7];
	[sflag:s20] =	ssyncset.done $0x0  }
0xb1: {  	[sflag:s20] =	ssyncadd.s32 $0xFFFFF000;
	s4 =	sadd.s32 $0x0, s7  }
0xb2: {  	[hbm4b:s4+s2] =	stream.linear.scatter [tilespmem:s23], [sflag:$0x9], $0x1000, $0x38;
	[tilespmem:$0xB400] =	vst v63  }
0xb3: {  	_ =	swait.ge [sflag:s14], $0x1000  }
0xb4: {  	[sflag:s14] =	ssyncset.done $0x0  }
0xb5: {  	s5 =	simm.s32 $0x600;
	[sflag:s14] =	ssyncadd.s32 $0xFFFFF000  }
0xb6: {  	[tilespmem:s23], [sflag:$0x5] =	stream.indirect.gather [hbm4b:s3+s15], $0x20, s5, s15, $0xb8;
	[tilespmem:$0xB400] =	vst v63  }
0xb7: {  	_ =	swait.ge [sflag:s22], $0x1000  }
0xb8: {  	s6 =	rddreg [dreg:$0x6];
	[sflag:s22] =	ssyncset.done $0x0  }
0xb9: {  	[sflag:s22] =	ssyncadd.s32 $0xFFFFF000;
	s4 =	sadd.s32 $0x0, s6  }
0xba: {  	[hbm4b:s4+s2] =	stream.linear.scatter [tilespmem:s25], [sflag:$0x9], $0x1000, $0x38;
	[tilespmem:$0xB400] =	vst v63  }
0xbb: {  	_ =	swait.ge [sflag:s14], $0x1000  }
0xbc: {  	[sflag:s14] =	ssyncset.done $0x0  }
0xbd: {  	s7 =	simm.s32 $0x680;
	[sflag:s14] =	ssyncadd.s32 $0xFFFFF000  }
0xbe: {  	[tilespmem:s25], [sflag:$0x6] =	stream.indirect.gather [hbm4b:s3+s15], $0x20, s7, s15, $0xb8;
	[tilespmem:$0xB400] =	vst v63  }
0xbf: {  	_ =	swait.ge [sflag:s24], $0x1000  }
0xc0: {  	s5 =	rddreg [dreg:$0x5];
	[sflag:s24] =	ssyncset.done $0x0  }
0xc1: {  	[sflag:s24] =	ssyncadd.s32 $0xFFFFF000;
	s4 =	sadd.s32 $0x0, s5  }
0xc2: {  	[hbm4b:s4+s2] =	stream.linear.scatter [tilespmem:s28], [sflag:$0x9], $0x1000, $0x38;
	[tilespmem:$0xB400] =	vst v63  }
0xc3: {  	_ =	swait.ge [sflag:s14], $0x1000  }
0xc4: {  	[sflag:s14] =	ssyncset.done $0x0  }
0xc5: {  	s6 =	simm.s32 $0x700;
	[sflag:s14] =	ssyncadd.s32 $0xFFFFF000  }
0xc6: {  	[tilespmem:s28], [sflag:$0x7] =	stream.indirect.gather [hbm4b:s3+s15], $0x20, s6, s15, $0xb8;
	[tilespmem:$0xB400] =	vst v63  }
0xc7: {  	_ =	swait.ge [sflag:s26], $0x1000  }
0xc8: {  	s7 =	rddreg [dreg:$0x4];
	[sflag:s26] =	ssyncset.done $0x0  }
0xc9: {  	[sflag:s26] =	ssyncadd.s32 $0xFFFFF000;
	s4 =	sadd.s32 $0x0, s7  }
0xca: {  	[hbm4b:s4+s2] =	stream.linear.scatter [tilespmem:s30], [sflag:$0x9], $0x1000, $0x38;
	[tilespmem:$0xB400] =	vst v63  }
0xcb: {  	_ =	swait.ge [sflag:s14], $0x1000  }
0xcc: {  	[sflag:s14] =	ssyncset.done $0x0  }
0xcd: {  	s5 =	simm.s32 $0x780;
	s4 =	simm.s32 $0x1000;
	[sflag:s14] =	ssyncadd.s32 $0xFFFFF000  }
.LBB2_4:
0xce: {  	[tilespmem:s30], [sflag:$0x8] =	stream.indirect.gather [hbm4b:s3+s15], $0x20, s5, s15, $0xb8;
	[tilespmem:$0xB400] =	vst v63  }
0xcf: {  	_ =	swait.ge [sflag:s31], $0x1000  }
0xd0: {  	s5 =	smov.u32 s4;
	s6 =	rddreg [dreg:$0x3];
	[sflag:s31] =	ssyncset.done $0x0  }
0xd1: {  	[sflag:s31] =	ssyncadd.s32 $0xFFFFF000;
	s6 =	sadd.s32 s5, s6  }
0xd2: {  	[hbm4b:s6+s2] =	stream.linear.scatter [tilespmem:s16], [sflag:$0x9], $0x1000, $0x38;
	[tilespmem:$0xB400] =	vst v63  }
0xd3: {  	_ =	swait.ge [sflag:s14], $0x1000  }
0xd4: {  	s6 =	sshra.s32 s5, $0x2;
	[sflag:s14] =	ssyncset.done $0x0  }
0xd5: {  	s7 =	sadd.s32 $0x400, s6;
	[sflag:s14] =	ssyncadd.s32 $0xFFFFF000  }
0xd6: {  	[tilespmem:s16], [sflag:$0x1] =	stream.indirect.gather [hbm4b:s3+s15], $0x20, s7, s15, $0xb8;
	[tilespmem:$0xB400] =	vst v63  }
0xd7: {  	_ =	swait.ge [sflag:s1], $0x1000  }
0xd8: {  	s7 =	rddreg [dreg:$0xa];
	[sflag:s1] =	ssyncset.done $0x0  }
0xd9: {  	[sflag:s1] =	ssyncadd.s32 $0xFFFFF000;
	s7 =	sadd.s32 s5, s7  }
0xda: {  	[hbm4b:s7+s2] =	stream.linear.scatter [tilespmem:s17], [sflag:$0x9], $0x1000, $0x38;
	[tilespmem:$0xB400] =	vst v63  }
0xdb: {  	_ =	swait.ge [sflag:s14], $0x1000  }
0xdc: {  	[sflag:s14] =	ssyncset.done $0x0  }
0xdd: {  	s7 =	sadd.s32 $0x480, s6;
	[sflag:s14] =	ssyncadd.s32 $0xFFFFF000  }
0xde: {  	[tilespmem:s17], [sflag:$0x2] =	stream.indirect.gather [hbm4b:s3+s15], $0x20, s7, s15, $0xb8;
	[tilespmem:$0xB400] =	vst v63  }
0xdf: {  	_ =	swait.ge [sflag:s0], $0x1000  }
0xe0: {  	s7 =	rddreg [dreg:$0x9];
	[sflag:s0] =	ssyncset.done $0x0  }
0xe1: {  	[sflag:s0] =	ssyncadd.s32 $0xFFFFF000;
	s7 =	sadd.s32 s5, s7  }
0xe2: {  	[hbm4b:s7+s2] =	stream.linear.scatter [tilespmem:s19], [sflag:$0x9], $0x1000, $0x38;
	[tilespmem:$0xB400] =	vst v63  }
0xe3: {  	_ =	swait.ge [sflag:s14], $0x1000  }
0xe4: {  	[sflag:s14] =	ssyncset.done $0x0  }
0xe5: {  	s7 =	sadd.s32 $0x500, s6;
	[sflag:s14] =	ssyncadd.s32 $0xFFFFF000  }
0xe6: {  	[tilespmem:s19], [sflag:$0x3] =	stream.indirect.gather [hbm4b:s3+s15], $0x20, s7, s15, $0xb8;
	[tilespmem:$0xB400] =	vst v63  }
0xe7: {  	_ =	swait.ge [sflag:s18], $0x1000  }
0xe8: {  	s7 =	rddreg [dreg:$0x8];
	[sflag:s18] =	ssyncset.done $0x0  }
0xe9: {  	[sflag:s18] =	ssyncadd.s32 $0xFFFFF000;
	s7 =	sadd.s32 s5, s7  }
0xea: {  	[hbm4b:s7+s2] =	stream.linear.scatter [tilespmem:s21], [sflag:$0x9], $0x1000, $0x38;
	[tilespmem:$0xB400] =	vst v63  }
0xeb: {  	_ =	swait.ge [sflag:s14], $0x1000  }
0xec: {  	[sflag:s14] =	ssyncset.done $0x0  }
0xed: {  	s7 =	sadd.s32 $0x580, s6;
	[sflag:s14] =	ssyncadd.s32 $0xFFFFF000  }
0xee: {  	[tilespmem:s21], [sflag:$0x4] =	stream.indirect.gather [hbm4b:s3+s15], $0x20, s7, s15, $0xb8;
	[tilespmem:$0xB400] =	vst v63  }
0xef: {  	_ =	swait.ge [sflag:s20], $0x1000  }
0xf0: {  	s7 =	rddreg [dreg:$0x7];
	[sflag:s20] =	ssyncset.done $0x0  }
0xf1: {  	[sflag:s20] =	ssyncadd.s32 $0xFFFFF000;
	s7 =	sadd.s32 s5, s7  }
0xf2: {  	[hbm4b:s7+s2] =	stream.linear.scatter [tilespmem:s23], [sflag:$0x9], $0x1000, $0x38;
	[tilespmem:$0xB400] =	vst v63  }
0xf3: {  	_ =	swait.ge [sflag:s14], $0x1000  }
0xf4: {  	[sflag:s14] =	ssyncset.done $0x0  }
0xf5: {  	s7 =	sadd.s32 $0x600, s6;
	[sflag:s14] =	ssyncadd.s32 $0xFFFFF000  }
0xf6: {  	[tilespmem:s23], [sflag:$0x5] =	stream.indirect.gather [hbm4b:s3+s15], $0x20, s7, s15, $0xb8;
	[tilespmem:$0xB400] =	vst v63  }
0xf7: {  	_ =	swait.ge [sflag:s22], $0x1000  }
0xf8: {  	s7 =	rddreg [dreg:$0x6];
	[sflag:s22] =	ssyncset.done $0x0  }
0xf9: {  	[sflag:s22] =	ssyncadd.s32 $0xFFFFF000;
	s7 =	sadd.s32 s5, s7  }
0xfa: {  	[hbm4b:s7+s2] =	stream.linear.scatter [tilespmem:s25], [sflag:$0x9], $0x1000, $0x38;
	[tilespmem:$0xB400] =	vst v63  }
0xfb: {  	_ =	swait.ge [sflag:s14], $0x1000  }
0xfc: {  	[sflag:s14] =	ssyncset.done $0x0  }
0xfd: {  	s7 =	sadd.s32 $0x680, s6;
	[sflag:s14] =	ssyncadd.s32 $0xFFFFF000  }
0xfe: {  	[tilespmem:s25], [sflag:$0x6] =	stream.indirect.gather [hbm4b:s3+s15], $0x20, s7, s15, $0xb8;
	[tilespmem:$0xB400] =	vst v63  }
0xff: {  	_ =	swait.ge [sflag:s24], $0x1000  }
0x100: {  	s7 =	rddreg [dreg:$0x5];
	[sflag:s24] =	ssyncset.done $0x0  }
0x101: {  	[sflag:s24] =	ssyncadd.s32 $0xFFFFF000;
	s7 =	sadd.s32 s5, s7  }
0x102: {  	[hbm4b:s7+s2] =	stream.linear.scatter [tilespmem:s28], [sflag:$0x9], $0x1000, $0x38;
	[tilespmem:$0xB400] =	vst v63  }
0x103: {  	_ =	swait.ge [sflag:s14], $0x1000  }
0x104: {  	[sflag:s14] =	ssyncset.done $0x0  }
0x105: {  	s7 =	sadd.s32 $0x700, s6;
	[sflag:s14] =	ssyncadd.s32 $0xFFFFF000  }
0x106: {  	[tilespmem:s28], [sflag:$0x7] =	stream.indirect.gather [hbm4b:s3+s15], $0x20, s7, s15, $0xb8;
	[tilespmem:$0xB400] =	vst v63  }
0x107: {  	_ =	swait.ge [sflag:s26], $0x1000  }
0x108: {  	p0 =	sne.s32 s4, $0xB000;
	s7 =	rddreg [dreg:$0x4];
	[sflag:s26] =	ssyncset.done $0x0  }
.Ltmp1:
0x109: {  	[sflag:s26] =	ssyncadd.s32 $0xFFFFF000;
	s5 =	sadd.s32 s5, s7;
	(pc) =	sbr.rel @p0 .LBB2_4-.Ltmp1, $4  }
0x10a: {  	[hbm4b:s5+s2] =	stream.linear.scatter [tilespmem:s30], [sflag:$0x9], $0x1000, $0x38;
	[tilespmem:$0xB400] =	vst v63  }
0x10b: {  	_ =	swait.ge [sflag:s14], $0x1000  }
0x10c: {  	[sflag:s14] =	ssyncset.done $0x0  }
0x10d: {  	s4 =	sadd.s32 $0x1000, s4;
	s5 =	sadd.s32 $0x780, s6;
	[sflag:s14] =	ssyncadd.s32 $0xFFFFF000  }
0x10e: {  	[tilespmem:s30], [sflag:$0x8] =	stream.indirect.gather [hbm4b:s3+s15], $0x20, s5, s15, $0xb8;
	[tilespmem:$0xB400] =	vst v63  }
0x10f: {  	_ =	swait.ge [sflag:s31], $0x1000  }
0x110: {  	[sflag:s31] =	ssyncset.done $0x0  }
0x111: {  	s4 =	rddreg [dreg:$0xc];
	[sflag:s31] =	ssyncadd.s32 $0xFFFFF000  }
0x112: {  	[hbm4b:s4+s2] =	stream.linear.scatter [tilespmem:s16], [sflag:$0x9], $0x1000, $0x38;
	[tilespmem:$0xB400] =	vst v63  }
0x113: {  	_ =	swait.ge [sflag:s14], $0x1000  }
0x114: {  	[sflag:s14] =	ssyncset.done $0x0  }
0x115: {  	[sflag:s14] =	ssyncadd.s32 $0xFFFFF000  }
0x116: {  	_ =	swait.ge [sflag:s1], $0x1000  }
0x117: {  	[sflag:s1] =	ssyncset.done $0x0  }
0x118: {  	s6 =	rddreg [dreg:$0xd];
	[sflag:s1] =	ssyncadd.s32 $0xFFFFF000  }
0x119: {  	[hbm4b:s6+s2] =	stream.linear.scatter [tilespmem:s17], [sflag:$0x9], $0x1000, $0x38;
	[tilespmem:$0xB400] =	vst v63  }
0x11a: {  	_ =	swait.ge [sflag:s14], $0x1000  }
0x11b: {  	[sflag:s14] =	ssyncset.done $0x0  }
0x11c: {  	[sflag:s14] =	ssyncadd.s32 $0xFFFFF000  }
0x11d: {  	_ =	swait.ge [sflag:s0], $0x1000  }
0x11e: {  	[sflag:s0] =	ssyncset.done $0x0  }
0x11f: {  	s7 =	rddreg [dreg:$0xe];
	[sflag:s0] =	ssyncadd.s32 $0xFFFFF000  }
0x120: {  	[hbm4b:s7+s2] =	stream.linear.scatter [tilespmem:s19], [sflag:$0x9], $0x1000, $0x38;
	[tilespmem:$0xB400] =	vst v63  }
0x121: {  	_ =	swait.ge [sflag:s14], $0x1000  }
0x122: {  	[sflag:s14] =	ssyncset.done $0x0  }
0x123: {  	[sflag:s14] =	ssyncadd.s32 $0xFFFFF000  }
0x124: {  	_ =	swait.ge [sflag:s18], $0x1000  }
0x125: {  	[sflag:s18] =	ssyncset.done $0x0  }
0x126: {  	[sflag:s18] =	ssyncadd.s32 $0xFFFFF000  }
0x127: {  	[hbm4b:s8+s2] =	stream.linear.scatter [tilespmem:s21], [sflag:$0x9], $0x1000, $0x38;
	[tilespmem:$0xB400] =	vst v63  }
0x128: {  	_ =	swait.ge [sflag:s14], $0x1000  }
0x129: {  	[sflag:s14] =	ssyncset.done $0x0  }
0x12a: {  	[sflag:s14] =	ssyncadd.s32 $0xFFFFF000  }
0x12b: {  	_ =	swait.ge [sflag:s20], $0x1000  }
0x12c: {  	[sflag:s20] =	ssyncset.done $0x0  }
0x12d: {  	[sflag:s20] =	ssyncadd.s32 $0xFFFFF000  }
0x12e: {  	[hbm4b:s9+s2] =	stream.linear.scatter [tilespmem:s23], [sflag:$0x9], $0x1000, $0x38;
	[tilespmem:$0xB400] =	vst v63  }
0x12f: {  	_ =	swait.ge [sflag:s14], $0x1000  }
0x130: {  	[sflag:s14] =	ssyncset.done $0x0  }
0x131: {  	[sflag:s14] =	ssyncadd.s32 $0xFFFFF000  }
0x132: {  	_ =	swait.ge [sflag:s22], $0x1000  }
0x133: {  	[sflag:s22] =	ssyncset.done $0x0  }
0x134: {  	[sflag:s22] =	ssyncadd.s32 $0xFFFFF000  }
0x135: {  	[hbm4b:s10+s2] =	stream.linear.scatter [tilespmem:s25], [sflag:$0x9], $0x1000, $0x38;
	[tilespmem:$0xB400] =	vst v63  }
0x136: {  	_ =	swait.ge [sflag:s14], $0x1000  }
0x137: {  	[sflag:s14] =	ssyncset.done $0x0  }
0x138: {  	[sflag:s14] =	ssyncadd.s32 $0xFFFFF000  }
0x139: {  	_ =	swait.ge [sflag:s24], $0x1000  }
0x13a: {  	[sflag:s24] =	ssyncset.done $0x0  }
0x13b: {  	[sflag:s24] =	ssyncadd.s32 $0xFFFFF000  }
0x13c: {  	[hbm4b:s11+s2] =	stream.linear.scatter [tilespmem:s28], [sflag:$0x9], $0x1000, $0x38;
	[tilespmem:$0xB400] =	vst v63  }
0x13d: {  	_ =	swait.ge [sflag:s14], $0x1000  }
0x13e: {  	[sflag:s14] =	ssyncset.done $0x0  }
0x13f: {  	[sflag:s14] =	ssyncadd.s32 $0xFFFFF000  }
0x140: {  	s29 =	sadd.s32 $0x1, s29;
	_ =	swait.ge [sflag:s26], $0x1000  }
0x141: {  	p0 =	sne.s32 s29, s13;
	[sflag:s26] =	ssyncset.done $0x0  }
.Ltmp2:
0x142: {  	[sflag:s26] =	ssyncadd.s32 $0xFFFFF000;
	(pc) =	sbr.rel @p0 .LBB2_1-.Ltmp2, $4  }
0x143: {  	[hbm4b:s12+s2] =	stream.linear.scatter [tilespmem:s30], [sflag:$0x9], $0x1000, $0x38;
	[tilespmem:$0xB400] =	vst v63  }
0x144: {  	_ =	swait.ge [sflag:s14], $0x1000  }
0x145: {  	[sflag:s14] =	ssyncset.done $0x0  }
0x146: {  	[sflag:s14] =	ssyncadd.s32 $0xFFFFF000  }
0x147: {  	_ =	sfence.sel $0x180000  }
0x148: {  	[bflag:$0x0] =	sbarrier.arrive $0xFFFF  }
0x149: {  	_ =	strace $0x90000047  }
0x14a: {  	s0 =	stileid.u32;
	[bflag:$0x2] =	sbarrier.arrive $0xFFFF  }
0x14b: {  	p0 =	sne.s32 s0, $0x0;
	s0 =	rddreg [dreg:$0x2]  }
0x14c: {  	s0 =	sadd.s32 @!p0 $0x100000, s0  }
0x14d: {  	[sflag:s0] =	ssyncadd.tile.s32 @!p0 $0x1;
	_ =	shalt  }
.Lfunc_end2:
_tile_overlayer_lowered:
.L_overlay_start_2:
0x14e: {  	(tag) =	ssettag $0x2  }
0x14f: {  	s0 =	rddreg [dreg:$0x0];
	s2 =	stileid.u32  }
0x150: {  	s1 =	rddreg [dreg:$0x1];
	p0 =	sne.s32 s2, $0x0  }
0x151: {  	s3 =	rddreg [dreg:$0x2];
	[bflag:$0x3] =	sbarrier.arrive $0xFFFF;
	s2 =	simm.s32 @!p0 $0x1C09  }
0x152: {  	[timem:s3], [sflag:s2] =	dma.local @!p0 [hbm:s0], s1  }
0x153: {  	s0 =	simm.s32 @!p0 $0x9  }
0x154: {  	_ =	swait.ge @!p0 [sflag:s0], s1  }
0x155: {  	s1 =	ssub.s32 @!p0 $0x0, s1;
	[sflag:s0] =	ssyncset.done @!p0 $0x0  }
0x156: {  	[sflag:s0] =	ssyncadd.s32 @!p0 s1  }
0x157: {  	[bflag:$0x3] =	sbarrier.arrive $0xFFFF  }
0x158: {  	_ =	shalt  }

// kernel: sparse-core-data-format-call.cloned.1.call-start
scs
called_computation_lowered:
.L_overlay_start_0:
0x0: {  	s2 =	sld [smem:$0x3FD9]  }
0x1: {  	s3 =	sld [smem:$0x3FFE];
	_ =	sdelay $0x1  }
0x2: {  	s1 =	srdreg.scid  }
0x3: {  	s0 =	sand.u32 $0x1, s1  }
0x4: {  	s18 =	sshll.u32 s0, $0xA;
	s2 =	sadd.s32 s3, s2  }
0x5: {  	s2 =	sadd.s32 s2, s18  }
0x6: {  	[smem:$0x3FC6] =	sst s2  }
0x7: {  	_ = 	snop  }
0x8: {  	s2 =	sld [smem:$0x3FD0];
	(tm) =	ssettm $0x1  }
0x9: {  	s19 =	sld [smem:$0x3FFB];
	_ =	sdelay $0x3  }
0xa: {  	_ =	strace s19  }
0xb: {  	s3 =	sld [smem:$0x3FFC];
	_ =	sdelay $0x3  }
0xc: {  	_ =	strace s3  }
0xd: {  	s3 =	sld [smem:$0x3FFD];
	_ =	sdelay $0x3  }
0xe: {  	_ =	strace s3  }
0xf: {  	_ =	strace $0x8FFFFFFF  }
0x10: {  	s20 =	sld [smem:$0x3FDB];
	_ =	sdelay $0x1  }
0x11: {  	s4 =	simm.s32 $_scs_section_size  }
0x12: {  	s5 =	simm.s32 $_size__tile_overlayer_lowered;
	s6 =	simm.s32 $_tile_overlayer_lowered  }
0x13: {  	s23 =	simm.s32 $0x1BFF;
	s22 =	sshll.u32 s6, $0x1;
	s3 =	sadd.s32 s4, s20  }
0x14: {  	s7 =	simm.s32 $0x0;
	s21 =	sshll.u32 s5, $0x1;
	s5 =	sadd.s32 s22, s3  }
0x15: {  	[timem:s7], [sflag:s23] =	dma.local [hbm:s5], s21  }
0x16: {  	_ =	swait.ge [sflag:s23], s21  }
0x17: {  	s4 =	ssub.s32 $0x0, s21;
	[sflag:s23] =	ssyncset.done $0x0  }
0x18: {  	[sflag:s23] =	ssyncadd.s32 s4;
	_ =	sdelay $0x1  }
0x19: {  	s24 =	simm.s32 $0x1B8B  }
0x1a: {  	_ =	swait.ge [sflag:s24], $0x1  }
0x1b: {  	[sflag:s24] =	ssyncset.done $0x0  }
0x1c: {  	s26 =	simm.s32 $0x1B8E;
	s25 =	sld [smem:$0x3FFE];
	[sflag:s24] =	ssyncadd.s32 $0xFFFFFFFF  }
0x1d: {  	s27 =	simm.s32 $execute0_lowered;
	[smem:$0x3FD2] =	sst s26  }
0x1e: {  	s5 =	sshll.u32 s27, $0x1;
	_ =	strace $0x80000049;
	[dreg:$0x1] =	wrdreg $0xFFFFFFFF  }
0x1f: {  	s28 =	simm.s32 $_size_execute0_lowered;
	s3 =	sadd.s32 s3, s5;
	[dreg:$0x0] =	wrdreg $0x0  }
0x20: {  	s5 =	sshll.u32 s28, $0x1;
	[dreg:$0x2] =	wrdreg s3  }
0x21: {  	[dreg:$0x3] =	wrdreg s5  }
0x22: {  	[dreg:$0x4] =	wrdreg $0xC0  }
0x23: {  	_ =	task [dreg:s7], $0x5FFFF  }
0x24: {  	[dreg:$0x1] =	wrdreg $0xFFFFFFFF  }
0x25: {  	[dreg:$0x0] =	wrdreg $0x60  }
0x26: {  	[dreg:$0x2] =	wrdreg s25  }
0x27: {  	[dreg:$0x3] =	wrdreg s2  }
0x28: {  	[dreg:$0x4] =	wrdreg $0x9  }
0x29: {  	_ =	task.clear_ibuf [dreg:s7], $0x5FFFF;
	_ =	strace $0x90000049  }
0x2a: {  	s29 =	simm.s32 $0x9;
	_ =	strace $0x8000004B  }
0x2b: {  	_ =	swait.ge [sflag:s29], $0x1  }
0x2c: {  	[sflag:s29] =	ssyncadd.s32 $0xFFFFFFFF  }
0x2d: {  	_ =	strace $0x9000004B  }
0x2e: {  	_ =	sfence  }
0x2f: {  	s30 =	sld [smem:$0x0];
	_ =	sdelay $0x2  }
0x30: {  	s31 =	sshll.u32 s1, $0xD;
	s1 =	sshrl.u32 s1, $0x2  }
0x31: {  	s3 =	sand.u32 $0x4000, s31;
	s1 =	sadd.s32 s1, s30  }
0x32: {  	s0 =	sor.u32 s3, s0;
	s1 =	sshll.u32 s1, $0x11  }
0x33: {  	s0 =	sor.u32 s1, s0  }
0x34: {  	s0 =	sadd.s32 $0x8F2B, s0  }
0x35: {  	[sflag:s0] =	ssyncadd.remote.s32 $0x1  }
0x36: {  	_ =	sfence.sel $0xFFFF  }
0x37: {  	[dreg:$0x0] =	wrdreg $0xFFFFFFFF;
	(pc) =	sbr.abs _section_cstart, $3  }
0x38: {  	[dreg:$0x1] =	wrdreg $0xFFFFFFFF  }
0x39: {  	_ =	task.clear_ibuf [dreg:s7], $0x2FFFF;
	_ =	strace $0x9FFFFFFF  }
0x3a: {  	(tm) =	ssettm $0x7FFFFFFF  }
0x3b: {  	_ =	shalt  }
tec
execute0_lowered:
.L_overlay_start_1:
0x0: {  	(tag) =	ssettag $0x1  }
0x1: {  	s0 =	srdreg.scid  }
0x2: {  	s1 =	sshll.u32 s0, $0x4  }
0x3: {  	s0 =	stileid.u32;
	s1 =	sand.u32 $0x10, s1  }
0x4: {  	s1 =	sor.u32 s0, s1  }
0x5: {  	s6 =	rddreg [dreg:$0x0];
	s4 =	simm.s32 $0x1;
	s2 =	sshll.u32 s1, $0x7  }
0x6: {  	s7 =	simm.s32 $0x2;
	s12 =	simm.s32 $0x0;
	s1 =	ssub.s32 $0x4000, s2  }
0x7: {  	s8 =	simm.s32 $0x20000;
	s13 =	simm.s32 $0x0;
	s3 =	sand.u32 $0xF80, s1  }
0x8: {  	s9 =	simm.s32 $0x0;
	s5 =	sshrl.u32 s1, $0xC;
	p0 =	sne.s32 s3, $0x0  }
.Ltmp0:
0x9: {  	s1 =	rddreg [dreg:$0x2];
	s4 =	simm.s32 @!p0 $0x0;
	(pc) =	sbr.rel .LBB1_1-.Ltmp0, $4  }
0xa: {  	s11 =	simm.s32 $0x0;
	s3 =	rddreg [dreg:$0x1];
	s5 =	sadd.s32 s4, s5  }
0xb: {  	_ =	strace $0x8000004A;
	s4 =	simm.s32 $0x1;
	s5 =	smul.u32 $0x1A, s5  }
0xc: {  	s6 =	sadd.s32 $0xA00, s6;
	s10 =	smov.u32 s2;
	[sflag:s4] =	ssyncpa.u1 $0x0  }
0xd: {  	p0 =	por $0x0, $0x0;
	[sflag:s7] =	ssyncpa.u1 $0x0;
	s7 =	sor.u32 $0x1, s5  }
.LBB1_4:
0xe: {  	s16 =	sshll.u32 s13, $0x3;
	s17 =	sand.u32 $0x78, s13  }
0xf: {  	s30 =	sand.u32 $0xF800, s13;
	s12 =	sshll.u32 s12, $0x10;
	s16 =	sand.u32 $0x3C00, s16  }
0x10: {  	s31 =	sand.u32 $0x7, s13;
	s16 =	sor.u32 s17, s16;
	s17 =	sadd.s32 s3, s30  }
0x11: {  	s13 =	sshll.u32 s31, $0x12;
	s16 =	sshrl.u32 s16, $0x3;
	s12 =	sadd.s32 s12, s17  }
0x12: {  	[tilespmem:s15+$0x0 ss:$0x81] =	vst.msk $0xffff, v0;
	s13 =	sor.u32 $0x400, s13;
	s12 =	sadd.s32 s16, s12  }
0x13: {  	[hbm4b:s12+s13] =	stream.strided.scatter [tilespmem:s14], [sflag:$0x2], $0x1000, s8, s13, $0x20;
	[tilespmem:$0x4040] =	vst v63  }
.LBB1_5:
0x14: {  	s14 =	sadd.s32 $0x1, s9  }
0x15: {  	s12 =	sadd.s32 $0x1000, s10;
	s16 =	smov.u32 s10;
	p2 =	sgt.s32 s14, $0x19  }
0x16: {  	s16 =	smov.u32 @p2 s12  }
0x17: {  	s14 =	simm.s32 @p2 $0x0;
	p2 =	sgt.s32 s16, $0x3FFF  }
0x18: {  	s16 =	smov.u32 @p2 s2;
	p2 =	sne.s32 s11, s7  }
.Ltmp1:
0x19: {  	p1 =	slt.u32 s11, $0x2;
	(pc) =	sbr.rel @!p2 .LBB1_6-.Ltmp1, $4  }
0x1a: {  	s15 =	simm.s32 @!p1 $0x2  }
0x1b: {  	s13 =	smov.u32 s10;
	p0 =	por !p0, !p0;
	_ =	swait.ge @!p1 [sflag:s15], $0x1000  }
0x1c: {  	s12 =	smov.u32 s9;
	[sflag:s15] =	ssyncset.done @!p1 $0x0;
	s9 =	smov.u32 s14  }
0x1d: {  	s11 =	sadd.s32 $0x1, s11;
	[sflag:s15] =	ssyncadd.s32 @!p1 $0xFFFFF000;
	s10 =	smov.u32 s16  }
.LBB1_1:
0x1e: {  	p1 =	sge.u32 s11, s5  }
0x1f: {  	s31 =	sadd.s32 $0xFFFFFFFF, s11;
	s14 =	sxor.u32 @!p1 $0xFFFFFFFF, s11  }
0x20: {  	s15 =	sshll.u32 @!p1 s10, $0x9;
	s16 =	sshll.u32 @!p1 s9, $0x4;
	s17 =	simm.s32 @!p1 $0x1000  }
0x21: {  	s14 =	sshll.u32 @!p1 s14, $0xC;
	s16 =	sand.u32 @!p1 $0x1F0, s16;
	s15 =	sadd.s32 @!p1 s6, s15  }
0x22: {  	s14 =	sand.u32 @!p1 $0x1000, s14;
	s15 =	sadd.s32 @!p1 s16, s15;
	s16 =	simm.s32 @!p1 $0x20  }
0x23: {  	[tilespmem:s14], [sflag:$0x1] =	stream.strided.gather @!p1 [hbm4b:s15+s16], $0x1000, s17, s16, $0x38;
	[tilespmem:$0x4040] =	vst v63  }
0x24: {  	p1 =	sge.u32 s31, s5  }
.Ltmp2:
0x25: {  	_ = 	snop;
	(pc) =	sbr.rel @p1 .LBB1_5-.Ltmp2, $1  }
0x26: {  	_ =	sdelay $0x3  }
0x27: {  	s14 =	simm.s32 $0x1  }
0x28: {  	_ =	swait.ge [sflag:s4], $0x1000;
	s14 =	simm.s32 @!p0 $0x0  }
0x29: {  	[sflag:s4] =	ssyncset.done $0x0;
	s15 =	sshll.u32 s14, $0xC  }
0x2a: {  	[sflag:s4] =	ssyncadd.s32 $0xFFFFF000;
	s18 =	sor.u32 $0x10, s15  }
0x2b: {  	s14 =	smul.u32 $0x4080, s14;
	v1 =	vld [tilespmem:s18+$0x0]  }
0x2c: {  	s30 =	sand.u32 $0x1, s11;
	v0 =	vld [tilespmem:s18+$0xFFFFFFF0]  }
0x2d: {  	s15 =	smul.u32 $0x4080, s30;
	s14 =	sshrl.u32 s14, $0x2  }
0x2e: {  	s16 =	sor.u32 $0x2000, s14  }
0x2f: {  	s31 =	sshrl.u32 s15, $0x2;
	s15 =	sadd.s32 $0x0, s16  }
0x30: {  	s17 =	simm.s32 $0x4;
	s18 =	sadd.s32 $0x20, s18;
	s14 =	sor.u32 $0x2000, s31;
	[tilespmem:s15+$0x810 ss:$0x81] =	vst.msk $0xffff, v1  }
.LBB1_3:
0x31: {  	v1 =	vld [tilespmem:s18+$0x0];
	p1 =	sne.s32 s17, $0x1FC;
	[tilespmem:s15+$0x0 ss:$0x81] =	vst.msk $0xffff, v0;
	s15 =	smov.u32 s17;
	s17 =	sadd.s32 $0x4, s17  }
.Ltmp3:
0x32: {  	v0 =	vld [tilespmem:s18+$0xFFFFFFF0];
	(pc) =	sbr.rel @p1 .LBB1_3-.Ltmp3, $4  }
0x33: {  	_ = 	snop  }
0x34: {  	s15 =	sshra.s32 s15, $0x2  }
0x35: {  	s15 =	sadd.s32 s15, s16  }
0x36: {  	s18 =	sadd.s32 $0x20, s18;
	[tilespmem:s15+$0x810 ss:$0x81] =	vst.msk $0xffff, v1  }
.Ltmp4:
0x37: {  	_ = 	snop;
	(pc) =	sbr.rel .LBB1_4-.Ltmp4, $1  }
0x38: {  	_ =	sdelay $0x3  }
.LBB1_6:
0x39: {  	_ =	sfence.sel $0x180000  }
0x3a: {  	s2 =	simm.s32 $0x1;
	[bflag:$0x0] =	sbarrier.arrive $0xFFFF  }
0x3b: {  	s31 =	simm.s32 $0x2;
	[sflag:s2] =	ssyncpa.u1 $0x1  }
0x3c: {  	[sflag:s31] =	ssyncpa.u1 $0x1  }
0x3d: {  	p0 =	sne.s32 s0, $0x0;
	_ =	strace $0x9000004A  }
0x3e: {  	s0 =	sadd.s32 @!p0 $0x100000, s1;
	[bflag:$0x2] =	sbarrier.arrive $0xFFFF  }
0x3f: {  	[sflag:s0] =	ssyncadd.tile.s32 @!p0 $0x1;
	_ =	shalt  }
.Lfunc_end1:
_tile_overlayer_lowered:
.L_overlay_start_2:
0x40: {  	(tag) =	ssettag $0x2  }
0x41: {  	s0 =	rddreg [dreg:$0x0];
	s2 =	stileid.u32  }
0x42: {  	s1 =	rddreg [dreg:$0x1];
	p0 =	sne.s32 s2, $0x0  }
0x43: {  	s3 =	rddreg [dreg:$0x2];
	[bflag:$0x3] =	sbarrier.arrive $0xFFFF;
	s2 =	simm.s32 @!p0 $0x1C01  }
0x44: {  	[timem:s3], [sflag:s2] =	dma.local @!p0 [hbm:s0], s1  }
0x45: {  	s0 =	simm.s32 @!p0 $0x1  }
0x46: {  	_ =	swait.ge @!p0 [sflag:s0], s1  }
0x47: {  	s1 =	ssub.s32 @!p0 $0x0, s1;
	[sflag:s0] =	ssyncset.done @!p0 $0x0  }
0x48: {  	[sflag:s0] =	ssyncadd.s32 @!p0 s1  }
0x49: {  	[bflag:$0x3] =	sbarrier.arrive $0xFFFF  }
0x4a: {  	_ =	shalt  }

</sc_bundles>
